<compile_context>
chip_gen: v7x
topology: tpu7x:2x2x1
jax: 0.10.2.dev20260603
libtpu: 0.0.44.dev20260713+nightly
codegen_flags: <defaults>
</compile_context>

<pallas_src>
import functools

import jax
import jax.numpy as jnp
from jax import lax
from jax.experimental import pallas as pl
from jax.experimental.pallas import tpu as pltpu
from jax.experimental.pallas import tpu_sc as plsc

_PAD = 1

_NC = 2
_NS = 16
_NW = _NC * _NS


def _positions_body(ids_ref, out_ref):
    ids = ids_ref[...]
    mask = (ids != _PAD).astype(jnp.int32)
    bsz, seq_len = ids.shape
    csum = mask
    k = 1
    while k < seq_len:
        shifted = jnp.concatenate(
            [jnp.zeros((bsz, k), jnp.int32), csum[:, :-k]], axis=1
        )
        csum = csum + shifted
        k *= 2
    out_ref[...] = csum * mask + _PAD


def _compute_position_ids(input_ids):
    return pl.pallas_call(
        _positions_body,
        out_shape=jax.ShapeDtypeStruct(input_ids.shape, jnp.int32),
    )(input_ids)


def _make_sc_gather(n_rows, d, n_chunks, chunk):
    b_per_w = n_chunks * chunk
    assert b_per_w * _NW == n_rows
    mesh = plsc.VectorSubcoreMesh(core_axis_name="c", subcore_axis_name="s")

    @functools.partial(
        pl.kernel,
        mesh=mesh,
        out_type=jax.ShapeDtypeStruct((n_rows, d), jnp.float32),
        scratch_types=[
            pltpu.VMEM((n_chunks, chunk), jnp.int32),
            pltpu.VMEM((chunk, d), jnp.float32),
            pltpu.SemaphoreType.DMA,
        ],
    )
    def sc_gather(table_hbm, idx_hbm, out_hbm, idx_v, rows_v, sem):
        wid = lax.axis_index("s") * _NC + lax.axis_index("c")
        base = wid * b_per_w
        pltpu.sync_copy(idx_hbm.at[wid], idx_v)
        for c in range(n_chunks):
            pltpu.async_copy(table_hbm.at[idx_v.at[c]], rows_v, sem).wait()
            pltpu.sync_copy(rows_v, out_hbm.at[pl.ds(base + c * chunk, chunk)])

    return sc_gather


def kernel(input_ids, weights):
    bsz, seq_len = input_ids.shape
    n_rows = bsz * seq_len
    d = weights.shape[1]

    position_ids = _compute_position_ids(input_ids)

    n_chunks, chunk = 8, 64
    idx = position_ids.reshape(_NW, n_chunks, chunk)
    out = _make_sc_gather(n_rows, d, n_chunks, chunk)(weights, idx)
    return out.reshape(bsz, seq_len, d)

# --- scband reference (transcript-rebuilt; emitter-appended) ---
"""Pipeline reference for scband-m2-m100-sinusoidal-positional-embedding-77309411328398 (READ-ONLY COPY).

The authoritative reference and input builder live on the scoring server;
editing this copy changes nothing except your own understanding.
"""

import math
import jax, jax.numpy as jnp
import numpy as np

NUM_POSITIONS = 4096
EMBEDDING_DIM = 1024
PADDING_IDX = 1
OFFSET = 2
BATCH = 4
SEQ_LEN = 4096
VOCAB = 128112


def make_sinusoidal_weights(num_embeddings, embedding_dim, padding_idx):
    half_dim = embedding_dim // 2
    emb_scale = math.log(10000) / (half_dim - 1)
    emb = jnp.exp(jnp.arange(half_dim, dtype=jnp.float32) * -emb_scale)
    emb = jnp.arange(num_embeddings, dtype=jnp.float32)[:, None] * emb[None, :]
    emb = jnp.concatenate([jnp.sin(emb), jnp.cos(emb)], axis=1).reshape(num_embeddings, -1)
    if embedding_dim % 2 == 1:
        emb = jnp.concatenate([emb, jnp.zeros((num_embeddings, 1), dtype=jnp.float32)], axis=1)
    if padding_idx is not None:
        emb = emb.at[padding_idx, :].set(0.0)
    return emb


def setup_inputs(seed: int = 0) -> dict:
    key = jax.random.key(seed)
    k1, _ = jax.random.split(key)
    input_ids = jax.random.randint(k1, (BATCH, SEQ_LEN), 0, VOCAB, dtype=jnp.int64 if jax.config.jax_enable_x64 else jnp.int32).astype(jnp.int32)
    weights = make_sinusoidal_weights(NUM_POSITIONS + OFFSET, EMBEDDING_DIM, PADDING_IDX)
    return {"input_ids": input_ids, "weights": weights}


def reference(input_ids, weights):
    bsz, seq_len = input_ids.shape
    past_key_values_length = 0
    # create_position_ids_from_input_ids
    mask = (input_ids != PADDING_IDX).astype(jnp.int32)
    incremental_indices = (jnp.cumsum(mask, axis=1).astype(jnp.int32) + past_key_values_length) * mask
    position_ids = incremental_indices.astype(jnp.int32) + PADDING_IDX
    # gather from sinusoidal table (memory-bound embedding lookup)
    out = jnp.take(weights, position_ids.reshape(-1), axis=0).reshape(bsz, seq_len, -1)
    return out

if __name__ == "__main__":
    import jax
    _d = setup_inputs()
    print(jax.jit(kernel)(*tuple(_d.values())))

</pallas_src>

<mosaic_0001>
#map = affine_map<(d0, d1) -> (0, 0)>
#map1 = affine_map<(d0, d1) -> (0, 0, 0)>
module attributes {stable_mosaic.version = 14 : i64} {
  func.func @sc_gather(%arg0: i32, %arg1: i32, %arg2: memref<4098x1024xf32, #tpu.memory_space<hbm>>, %arg3: memref<32x8x64xi32, #tpu.memory_space<hbm>>, %arg4: memref<16384x1024xf32, #tpu.memory_space<hbm>>, %arg5: memref<8x64xi32, #tpu.memory_space<vmem>>, %arg6: memref<64x1024xf32, #tpu.memory_space<vmem>>, %arg7: memref<!tpu.dma_semaphore, #tpu.memory_space<semaphore_mem>>) attributes {dimension_semantics = [#tpu.dimension_semantics<core_parallel>, #tpu.dimension_semantics<subcore_parallel>], iteration_bounds = array<i64: 2, 16>, scalar_prefetch = 0 : i64, scratch_operands = 3 : i64, tpu.core_type = #tpu.core_type<sc_vector_subcore>, window_params = [{transform_indices = #map}, {transform_indices = #map1}, {transform_indices = #map}]} {
    %mul3A = arith.constant 2 : i32
    %mul3A_0 = arith.muli %arg1, %mul3A : i32
    %add3A = arith.addi %mul3A_0, %arg0 : i32
    %mul3A_1 = arith.constant 512 : i32
    %mul3A_2 = arith.muli %add3A, %mul3A_1 : i32
    "tpu.region"() ({
      %run_scoped3A = tpu.sem_alloc : memref<!tpu.dma_semaphore, #tpu.memory_space<semaphore_mem>>
      %dma_start3A_129 = arith.constant 0 : i32
      %dma_start3A_130 = arith.constant 0 : i32
      %dma_start3A_131 = tpu.memref_slice %arg3[%add3A, %dma_start3A_129, %dma_start3A_130] : memref<32x8x64xi32, #tpu.memory_space<hbm>> -> memref<1x8x64xi32, #tpu.memory_space<hbm>>
      %dma_start3A_132 = tpu.memref_squeeze %dma_start3A_131 : memref<1x8x64xi32, #tpu.memory_space<hbm>> -> memref<8x64xi32, #tpu.memory_space<hbm>>
      %dma_start3A_133 = arith.constant 0 : i32
      %dma_start3A_134 = arith.constant 0 : i32
      %dma_start3A_135 = tpu.memref_slice %arg3[%add3A, %dma_start3A_133, %dma_start3A_134] : memref<32x8x64xi32, #tpu.memory_space<hbm>> -> memref<1x8x64xi32, #tpu.memory_space<hbm>>
      %dma_start3A_136 = tpu.memref_squeeze %dma_start3A_135 : memref<1x8x64xi32, #tpu.memory_space<hbm>> -> memref<8x64xi32, #tpu.memory_space<hbm>>
      tpu.enqueue_dma source(%dma_start3A_136 : memref<8x64xi32, #tpu.memory_space<hbm>>) target(%arg5 : memref<8x64xi32, #tpu.memory_space<vmem>>) target_semaphore(%run_scoped3A : memref<!tpu.dma_semaphore, #tpu.memory_space<semaphore_mem>>)
      %dma_wait3A_137 = arith.constant 0 : i32
      %dma_wait3A_138 = arith.constant 0 : i32
      %dma_wait3A_139 = tpu.memref_slice %arg3[%add3A, %dma_wait3A_137, %dma_wait3A_138] : memref<32x8x64xi32, #tpu.memory_space<hbm>> -> memref<1x8x64xi32, #tpu.memory_space<hbm>>
      %dma_wait3A_140 = tpu.memref_squeeze %dma_wait3A_139 : memref<1x8x64xi32, #tpu.memory_space<hbm>> -> memref<8x64xi32, #tpu.memory_space<hbm>>
      %dma_wait3A_141 = arith.constant 0 : i32
      %dma_wait3A_142 = arith.constant 0 : i32
      %dma_wait3A_143 = tpu.memref_slice %arg3[%add3A, %dma_wait3A_141, %dma_wait3A_142] : memref<32x8x64xi32, #tpu.memory_space<hbm>> -> memref<1x8x64xi32, #tpu.memory_space<hbm>>
      %dma_wait3A_144 = tpu.memref_squeeze %dma_wait3A_143 : memref<1x8x64xi32, #tpu.memory_space<hbm>> -> memref<8x64xi32, #tpu.memory_space<hbm>>
      tpu.wait_dma2 semaphore(%run_scoped3A : memref<!tpu.dma_semaphore, #tpu.memory_space<semaphore_mem>>) src(%dma_wait3A_144 : memref<8x64xi32, #tpu.memory_space<hbm>>) dst(%arg5 : memref<8x64xi32, #tpu.memory_space<vmem>>)
      tpu.yield
    }) : () -> ()
    %dma_start3A = arith.constant 0 : i32
    %dma_start3A_3 = arith.constant 0 : i32
    %dma_start3A_4 = tpu.memref_slice %arg5[%dma_start3A, %dma_start3A_3] : memref<8x64xi32, #tpu.memory_space<vmem>> -> memref<1x64xi32, #tpu.memory_space<vmem>>
    %dma_start3A_5 = tpu.memref_squeeze %dma_start3A_4 : memref<1x64xi32, #tpu.memory_space<vmem>> -> memref<64xi32, #tpu.memory_space<vmem>>
    %dma_start3A_6 = arith.constant 0 : i32
    %dma_start3A_7 = arith.constant 0 : i32
    %dma_start3A_8 = tpu.memref_slice %arg2[%dma_start3A_6, %dma_start3A_7] : memref<4098x1024xf32, #tpu.memory_space<hbm>> -> memref<4098x1024xf32, #tpu.memory_space<hbm>>
    tpu.enqueue_indirect_dma source(%dma_start3A_8 : memref<4098x1024xf32, #tpu.memory_space<hbm>>) target(%arg6 : memref<64x1024xf32, #tpu.memory_space<vmem>>) offsets(%dma_start3A_5 : memref<64xi32, #tpu.memory_space<vmem>>) semaphore(%arg7 : memref<!tpu.dma_semaphore, #tpu.memory_space<semaphore_mem>>)
    %dma_wait3A = arith.constant 0 : i32
    %dma_wait3A_9 = arith.constant 0 : i32
    %dma_wait3A_10 = tpu.memref_slice %arg5[%dma_wait3A, %dma_wait3A_9] : memref<8x64xi32, #tpu.memory_space<vmem>> -> memref<1x64xi32, #tpu.memory_space<vmem>>
    %dma_wait3A_11 = tpu.memref_squeeze %dma_wait3A_10 : memref<1x64xi32, #tpu.memory_space<vmem>> -> memref<64xi32, #tpu.memory_space<vmem>>
    %dma_wait3A_12 = arith.constant 0 : i32
    %dma_wait3A_13 = arith.constant 0 : i32
    %dma_wait3A_14 = tpu.memref_slice %arg2[%dma_wait3A_12, %dma_wait3A_13] : memref<4098x1024xf32, #tpu.memory_space<hbm>> -> memref<4098x1024xf32, #tpu.memory_space<hbm>>
    tpu.wait_indirect_dma semaphore(%arg7 : memref<!tpu.dma_semaphore, #tpu.memory_space<semaphore_mem>>) src(%dma_wait3A_14 : memref<4098x1024xf32, #tpu.memory_space<hbm>>) dst(%arg6 : memref<64x1024xf32, #tpu.memory_space<vmem>>)
    %add3A_15 = arith.constant 0 : i32
    %add3A_16 = arith.addi %mul3A_2, %add3A_15 : i32
    "tpu.region"() ({
      %run_scoped3A = tpu.sem_alloc : memref<!tpu.dma_semaphore, #tpu.memory_space<semaphore_mem>>
      %dma_start3A_129 = arith.constant 0 : i32
      %dma_start3A_130 = tpu.memref_slice %arg4[%add3A_16, %dma_start3A_129] : memref<16384x1024xf32, #tpu.memory_space<hbm>> -> memref<64x1024xf32, #tpu.memory_space<hbm>>
      %dma_start3A_131 = arith.constant 0 : i32
      %dma_start3A_132 = tpu.memref_slice %arg4[%add3A_16, %dma_start3A_131] : memref<16384x1024xf32, #tpu.memory_space<hbm>> -> memref<64x1024xf32, #tpu.memory_space<hbm>>
      tpu.enqueue_dma source(%arg6 : memref<64x1024xf32, #tpu.memory_space<vmem>>) target(%dma_start3A_132 : memref<64x1024xf32, #tpu.memory_space<hbm>>) target_semaphore(%run_scoped3A : memref<!tpu.dma_semaphore, #tpu.memory_space<semaphore_mem>>)
      %dma_wait3A_133 = arith.constant 0 : i32
      %dma_wait3A_134 = tpu.memref_slice %arg4[%add3A_16, %dma_wait3A_133] : memref<16384x1024xf32, #tpu.memory_space<hbm>> -> memref<64x1024xf32, #tpu.memory_space<hbm>>
      %dma_wait3A_135 = arith.constant 0 : i32
      %dma_wait3A_136 = tpu.memref_slice %arg4[%add3A_16, %dma_wait3A_135] : memref<16384x1024xf32, #tpu.memory_space<hbm>> -> memref<64x1024xf32, #tpu.memory_space<hbm>>
      tpu.wait_dma2 semaphore(%run_scoped3A : memref<!tpu.dma_semaphore, #tpu.memory_space<semaphore_mem>>) src(%arg6 : memref<64x1024xf32, #tpu.memory_space<vmem>>) dst(%dma_wait3A_136 : memref<64x1024xf32, #tpu.memory_space<hbm>>)
      tpu.yield
    }) : () -> ()
    %dma_start3A_17 = arith.constant 1 : i32
    %dma_start3A_18 = arith.constant 0 : i32
    %dma_start3A_19 = tpu.memref_slice %arg5[%dma_start3A_17, %dma_start3A_18] : memref<8x64xi32, #tpu.memory_space<vmem>> -> memref<1x64xi32, #tpu.memory_space<vmem>>
    %dma_start3A_20 = tpu.memref_squeeze %dma_start3A_19 : memref<1x64xi32, #tpu.memory_space<vmem>> -> memref<64xi32, #tpu.memory_space<vmem>>
    %dma_start3A_21 = arith.constant 0 : i32
    %dma_start3A_22 = arith.constant 0 : i32
    %dma_start3A_23 = tpu.memref_slice %arg2[%dma_start3A_21, %dma_start3A_22] : memref<4098x1024xf32, #tpu.memory_space<hbm>> -> memref<4098x1024xf32, #tpu.memory_space<hbm>>
    tpu.enqueue_indirect_dma source(%dma_start3A_23 : memref<4098x1024xf32, #tpu.memory_space<hbm>>) target(%arg6 : memref<64x1024xf32, #tpu.memory_space<vmem>>) offsets(%dma_start3A_20 : memref<64xi32, #tpu.memory_space<vmem>>) semaphore(%arg7 : memref<!tpu.dma_semaphore, #tpu.memory_space<semaphore_mem>>)
    %dma_wait3A_24 = arith.constant 1 : i32
    %dma_wait3A_25 = arith.constant 0 : i32
    %dma_wait3A_26 = tpu.memref_slice %arg5[%dma_wait3A_24, %dma_wait3A_25] : memref<8x64xi32, #tpu.memory_space<vmem>> -> memref<1x64xi32, #tpu.memory_space<vmem>>
    %dma_wait3A_27 = tpu.memref_squeeze %dma_wait3A_26 : memref<1x64xi32, #tpu.memory_space<vmem>> -> memref<64xi32, #tpu.memory_space<vmem>>
    %dma_wait3A_28 = arith.constant 0 : i32
    %dma_wait3A_29 = arith.constant 0 : i32
    %dma_wait3A_30 = tpu.memref_slice %arg2[%dma_wait3A_28, %dma_wait3A_29] : memref<4098x1024xf32, #tpu.memory_space<hbm>> -> memref<4098x1024xf32, #tpu.memory_space<hbm>>
    tpu.wait_indirect_dma semaphore(%arg7 : memref<!tpu.dma_semaphore, #tpu.memory_space<semaphore_mem>>) src(%dma_wait3A_30 : memref<4098x1024xf32, #tpu.memory_space<hbm>>) dst(%arg6 : memref<64x1024xf32, #tpu.memory_space<vmem>>)
    %add3A_31 = arith.constant 64 : i32
    %add3A_32 = arith.addi %mul3A_2, %add3A_31 : i32
    "tpu.region"() ({
      %run_scoped3A = tpu.sem_alloc : memref<!tpu.dma_semaphore, #tpu.memory_space<semaphore_mem>>
      %dma_start3A_129 = arith.constant 0 : i32
      %dma_start3A_130 = tpu.memref_slice %arg4[%add3A_32, %dma_start3A_129] : memref<16384x1024xf32, #tpu.memory_space<hbm>> -> memref<64x1024xf32, #tpu.memory_space<hbm>>
      %dma_start3A_131 = arith.constant 0 : i32
      %dma_start3A_132 = tpu.memref_slice %arg4[%add3A_32, %dma_start3A_131] : memref<16384x1024xf32, #tpu.memory_space<hbm>> -> memref<64x1024xf32, #tpu.memory_space<hbm>>
      tpu.enqueue_dma source(%arg6 : memref<64x1024xf32, #tpu.memory_space<vmem>>) target(%dma_start3A_132 : memref<64x1024xf32, #tpu.memory_space<hbm>>) target_semaphore(%run_scoped3A : memref<!tpu.dma_semaphore, #tpu.memory_space<semaphore_mem>>)
      %dma_wait3A_133 = arith.constant 0 : i32
      %dma_wait3A_134 = tpu.memref_slice %arg4[%add3A_32, %dma_wait3A_133] : memref<16384x1024xf32, #tpu.memory_space<hbm>> -> memref<64x1024xf32, #tpu.memory_space<hbm>>
      %dma_wait3A_135 = arith.constant 0 : i32
      %dma_wait3A_136 = tpu.memref_slice %arg4[%add3A_32, %dma_wait3A_135] : memref<16384x1024xf32, #tpu.memory_space<hbm>> -> memref<64x1024xf32, #tpu.memory_space<hbm>>
      tpu.wait_dma2 semaphore(%run_scoped3A : memref<!tpu.dma_semaphore, #tpu.memory_space<semaphore_mem>>) src(%arg6 : memref<64x1024xf32, #tpu.memory_space<vmem>>) dst(%dma_wait3A_136 : memref<64x1024xf32, #tpu.memory_space<hbm>>)
      tpu.yield
    }) : () -> ()
    %dma_start3A_33 = arith.constant 2 : i32
    %dma_start3A_34 = arith.constant 0 : i32
    %dma_start3A_35 = tpu.memref_slice %arg5[%dma_start3A_33, %dma_start3A_34] : memref<8x64xi32, #tpu.memory_space<vmem>> -> memref<1x64xi32, #tpu.memory_space<vmem>>
    %dma_start3A_36 = tpu.memref_squeeze %dma_start3A_35 : memref<1x64xi32, #tpu.memory_space<vmem>> -> memref<64xi32, #tpu.memory_space<vmem>>
    %dma_start3A_37 = arith.constant 0 : i32
    %dma_start3A_38 = arith.constant 0 : i32
    %dma_start3A_39 = tpu.memref_slice %arg2[%dma_start3A_37, %dma_start3A_38] : memref<4098x1024xf32, #tpu.memory_space<hbm>> -> memref<4098x1024xf32, #tpu.memory_space<hbm>>
    tpu.enqueue_indirect_dma source(%dma_start3A_39 : memref<4098x1024xf32, #tpu.memory_space<hbm>>) target(%arg6 : memref<64x1024xf32, #tpu.memory_space<vmem>>) offsets(%dma_start3A_36 : memref<64xi32, #tpu.memory_space<vmem>>) semaphore(%arg7 : memref<!tpu.dma_semaphore, #tpu.memory_space<semaphore_mem>>)
    %dma_wait3A_40 = arith.constant 2 : i32
    %dma_wait3A_41 = arith.constant 0 : i32
    %dma_wait3A_42 = tpu.memref_slice %arg5[%dma_wait3A_40, %dma_wait3A_41] : memref<8x64xi32, #tpu.memory_space<vmem>> -> memref<1x64xi32, #tpu.memory_space<vmem>>
    %dma_wait3A_43 = tpu.memref_squeeze %dma_wait3A_42 : memref<1x64xi32, #tpu.memory_space<vmem>> -> memref<64xi32, #tpu.memory_space<vmem>>
    %dma_wait3A_44 = arith.constant 0 : i32
    %dma_wait3A_45 = arith.constant 0 : i32
    %dma_wait3A_46 = tpu.memref_slice %arg2[%dma_wait3A_44, %dma_wait3A_45] : memref<4098x1024xf32, #tpu.memory_space<hbm>> -> memref<4098x1024xf32, #tpu.memory_space<hbm>>
    tpu.wait_indirect_dma semaphore(%arg7 : memref<!tpu.dma_semaphore, #tpu.memory_space<semaphore_mem>>) src(%dma_wait3A_46 : memref<4098x1024xf32, #tpu.memory_space<hbm>>) dst(%arg6 : memref<64x1024xf32, #tpu.memory_space<vmem>>)
    %add3A_47 = arith.constant 128 : i32
    %add3A_48 = arith.addi %mul3A_2, %add3A_47 : i32
    "tpu.region"() ({
      %run_scoped3A = tpu.sem_alloc : memref<!tpu.dma_semaphore, #tpu.memory_space<semaphore_mem>>
      %dma_start3A_129 = arith.constant 0 : i32
      %dma_start3A_130 = tpu.memref_slice %arg4[%add3A_48, %dma_start3A_129] : memref<16384x1024xf32, #tpu.memory_space<hbm>> -> memref<64x1024xf32, #tpu.memory_space<hbm>>
      %dma_start3A_131 = arith.constant 0 : i32
      %dma_start3A_132 = tpu.memref_slice %arg4[%add3A_48, %dma_start3A_131] : memref<16384x1024xf32, #tpu.memory_space<hbm>> -> memref<64x1024xf32, #tpu.memory_space<hbm>>
      tpu.enqueue_dma source(%arg6 : memref<64x1024xf32, #tpu.memory_space<vmem>>) target(%dma_start3A_132 : memref<64x1024xf32, #tpu.memory_space<hbm>>) target_semaphore(%run_scoped3A : memref<!tpu.dma_semaphore, #tpu.memory_space<semaphore_mem>>)
      %dma_wait3A_133 = arith.constant 0 : i32
      %dma_wait3A_134 = tpu.memref_slice %arg4[%add3A_48, %dma_wait3A_133] : memref<16384x1024xf32, #tpu.memory_space<hbm>> -> memref<64x1024xf32, #tpu.memory_space<hbm>>
      %dma_wait3A_135 = arith.constant 0 : i32
      %dma_wait3A_136 = tpu.memref_slice %arg4[%add3A_48, %dma_wait3A_135] : memref<16384x1024xf32, #tpu.memory_space<hbm>> -> memref<64x1024xf32, #tpu.memory_space<hbm>>
      tpu.wait_dma2 semaphore(%run_scoped3A : memref<!tpu.dma_semaphore, #tpu.memory_space<semaphore_mem>>) src(%arg6 : memref<64x1024xf32, #tpu.memory_space<vmem>>) dst(%dma_wait3A_136 : memref<64x1024xf32, #tpu.memory_space<hbm>>)
      tpu.yield
    }) : () -> ()
    %dma_start3A_49 = arith.constant 3 : i32
    %dma_start3A_50 = arith.constant 0 : i32
    %dma_start3A_51 = tpu.memref_slice %arg5[%dma_start3A_49, %dma_start3A_50] : memref<8x64xi32, #tpu.memory_space<vmem>> -> memref<1x64xi32, #tpu.memory_space<vmem>>
    %dma_start3A_52 = tpu.memref_squeeze %dma_start3A_51 : memref<1x64xi32, #tpu.memory_space<vmem>> -> memref<64xi32, #tpu.memory_space<vmem>>
    %dma_start3A_53 = arith.constant 0 : i32
    %dma_start3A_54 = arith.constant 0 : i32
    %dma_start3A_55 = tpu.memref_slice %arg2[%dma_start3A_53, %dma_start3A_54] : memref<4098x1024xf32, #tpu.memory_space<hbm>> -> memref<4098x1024xf32, #tpu.memory_space<hbm>>
    tpu.enqueue_indirect_dma source(%dma_start3A_55 : memref<4098x1024xf32, #tpu.memory_space<hbm>>) target(%arg6 : memref<64x1024xf32, #tpu.memory_space<vmem>>) offsets(%dma_start3A_52 : memref<64xi32, #tpu.memory_space<vmem>>) semaphore(%arg7 : memref<!tpu.dma_semaphore, #tpu.memory_space<semaphore_mem>>)
    %dma_wait3A_56 = arith.constant 3 : i32
    %dma_wait3A_57 = arith.constant 0 : i32
    %dma_wait3A_58 = tpu.memref_slice %arg5[%dma_wait3A_56, %dma_wait3A_57] : memref<8x64xi32, #tpu.memory_space<vmem>> -> memref<1x64xi32, #tpu.memory_space<vmem>>
    %dma_wait3A_59 = tpu.memref_squeeze %dma_wait3A_58 : memref<1x64xi32, #tpu.memory_space<vmem>> -> memref<64xi32, #tpu.memory_space<vmem>>
    %dma_wait3A_60 = arith.constant 0 : i32
    %dma_wait3A_61 = arith.constant 0 : i32
    %dma_wait3A_62 = tpu.memref_slice %arg2[%dma_wait3A_60, %dma_wait3A_61] : memref<4098x1024xf32, #tpu.memory_space<hbm>> -> memref<4098x1024xf32, #tpu.memory_space<hbm>>
    tpu.wait_indirect_dma semaphore(%arg7 : memref<!tpu.dma_semaphore, #tpu.memory_space<semaphore_mem>>) src(%dma_wait3A_62 : memref<4098x1024xf32, #tpu.memory_space<hbm>>) dst(%arg6 : memref<64x1024xf32, #tpu.memory_space<vmem>>)
    %add3A_63 = arith.constant 192 : i32
    %add3A_64 = arith.addi %mul3A_2, %add3A_63 : i32
    "tpu.region"() ({
      %run_scoped3A = tpu.sem_alloc : memref<!tpu.dma_semaphore, #tpu.memory_space<semaphore_mem>>
      %dma_start3A_129 = arith.constant 0 : i32
      %dma_start3A_130 = tpu.memref_slice %arg4[%add3A_64, %dma_start3A_129] : memref<16384x1024xf32, #tpu.memory_space<hbm>> -> memref<64x1024xf32, #tpu.memory_space<hbm>>
      %dma_start3A_131 = arith.constant 0 : i32
      %dma_start3A_132 = tpu.memref_slice %arg4[%add3A_64, %dma_start3A_131] : memref<16384x1024xf32, #tpu.memory_space<hbm>> -> memref<64x1024xf32, #tpu.memory_space<hbm>>
      tpu.enqueue_dma source(%arg6 : memref<64x1024xf32, #tpu.memory_space<vmem>>) target(%dma_start3A_132 : memref<64x1024xf32, #tpu.memory_space<hbm>>) target_semaphore(%run_scoped3A : memref<!tpu.dma_semaphore, #tpu.memory_space<semaphore_mem>>)
      %dma_wait3A_133 = arith.constant 0 : i32
      %dma_wait3A_134 = tpu.memref_slice %arg4[%add3A_64, %dma_wait3A_133] : memref<16384x1024xf32, #tpu.memory_space<hbm>> -> memref<64x1024xf32, #tpu.memory_space<hbm>>
      %dma_wait3A_135 = arith.constant 0 : i32
      %dma_wait3A_136 = tpu.memref_slice %arg4[%add3A_64, %dma_wait3A_135] : memref<16384x1024xf32, #tpu.memory_space<hbm>> -> memref<64x1024xf32, #tpu.memory_space<hbm>>
      tpu.wait_dma2 semaphore(%run_scoped3A : memref<!tpu.dma_semaphore, #tpu.memory_space<semaphore_mem>>) src(%arg6 : memref<64x1024xf32, #tpu.memory_space<vmem>>) dst(%dma_wait3A_136 : memref<64x1024xf32, #tpu.memory_space<hbm>>)
      tpu.yield
    }) : () -> ()
    %dma_start3A_65 = arith.constant 4 : i32
    %dma_start3A_66 = arith.constant 0 : i32
    %dma_start3A_67 = tpu.memref_slice %arg5[%dma_start3A_65, %dma_start3A_66] : memref<8x64xi32, #tpu.memory_space<vmem>> -> memref<1x64xi32, #tpu.memory_space<vmem>>
    %dma_start3A_68 = tpu.memref_squeeze %dma_start3A_67 : memref<1x64xi32, #tpu.memory_space<vmem>> -> memref<64xi32, #tpu.memory_space<vmem>>
    %dma_start3A_69 = arith.constant 0 : i32
    %dma_start3A_70 = arith.constant 0 : i32
    %dma_start3A_71 = tpu.memref_slice %arg2[%dma_start3A_69, %dma_start3A_70] : memref<4098x1024xf32, #tpu.memory_space<hbm>> -> memref<4098x1024xf32, #tpu.memory_space<hbm>>
    tpu.enqueue_indirect_dma source(%dma_start3A_71 : memref<4098x1024xf32, #tpu.memory_space<hbm>>) target(%arg6 : memref<64x1024xf32, #tpu.memory_space<vmem>>) offsets(%dma_start3A_68 : memref<64xi32, #tpu.memory_space<vmem>>) semaphore(%arg7 : memref<!tpu.dma_semaphore, #tpu.memory_space<semaphore_mem>>)
    %dma_wait3A_72 = arith.constant 4 : i32
    %dma_wait3A_73 = arith.constant 0 : i32
    %dma_wait3A_74 = tpu.memref_slice %arg5[%dma_wait3A_72, %dma_wait3A_73] : memref<8x64xi32, #tpu.memory_space<vmem>> -> memref<1x64xi32, #tpu.memory_space<vmem>>
    %dma_wait3A_75 = tpu.memref_squeeze %dma_wait3A_74 : memref<1x64xi32, #tpu.memory_space<vmem>> -> memref<64xi32, #tpu.memory_space<vmem>>
    %dma_wait3A_76 = arith.constant 0 : i32
    %dma_wait3A_77 = arith.constant 0 : i32
    %dma_wait3A_78 = tpu.memref_slice %arg2[%dma_wait3A_76, %dma_wait3A_77] : memref<4098x1024xf32, #tpu.memory_space<hbm>> -> memref<4098x1024xf32, #tpu.memory_space<hbm>>
    tpu.wait_indirect_dma semaphore(%arg7 : memref<!tpu.dma_semaphore, #tpu.memory_space<semaphore_mem>>) src(%dma_wait3A_78 : memref<4098x1024xf32, #tpu.memory_space<hbm>>) dst(%arg6 : memref<64x1024xf32, #tpu.memory_space<vmem>>)
    %add3A_79 = arith.constant 256 : i32
    %add3A_80 = arith.addi %mul3A_2, %add3A_79 : i32
    "tpu.region"() ({
      %run_scoped3A = tpu.sem_alloc : memref<!tpu.dma_semaphore, #tpu.memory_space<semaphore_mem>>
      %dma_start3A_129 = arith.constant 0 : i32
      %dma_start3A_130 = tpu.memref_slice %arg4[%add3A_80, %dma_start3A_129] : memref<16384x1024xf32, #tpu.memory_space<hbm>> -> memref<64x1024xf32, #tpu.memory_space<hbm>>
      %dma_start3A_131 = arith.constant 0 : i32
      %dma_start3A_132 = tpu.memref_slice %arg4[%add3A_80, %dma_start3A_131] : memref<16384x1024xf32, #tpu.memory_space<hbm>> -> memref<64x1024xf32, #tpu.memory_space<hbm>>
      tpu.enqueue_dma source(%arg6 : memref<64x1024xf32, #tpu.memory_space<vmem>>) target(%dma_start3A_132 : memref<64x1024xf32, #tpu.memory_space<hbm>>) target_semaphore(%run_scoped3A : memref<!tpu.dma_semaphore, #tpu.memory_space<semaphore_mem>>)
      %dma_wait3A_133 = arith.constant 0 : i32
      %dma_wait3A_134 = tpu.memref_slice %arg4[%add3A_80, %dma_wait3A_133] : memref<16384x1024xf32, #tpu.memory_space<hbm>> -> memref<64x1024xf32, #tpu.memory_space<hbm>>
      %dma_wait3A_135 = arith.constant 0 : i32
      %dma_wait3A_136 = tpu.memref_slice %arg4[%add3A_80, %dma_wait3A_135] : memref<16384x1024xf32, #tpu.memory_space<hbm>> -> memref<64x1024xf32, #tpu.memory_space<hbm>>
      tpu.wait_dma2 semaphore(%run_scoped3A : memref<!tpu.dma_semaphore, #tpu.memory_space<semaphore_mem>>) src(%arg6 : memref<64x1024xf32, #tpu.memory_space<vmem>>) dst(%dma_wait3A_136 : memref<64x1024xf32, #tpu.memory_space<hbm>>)
      tpu.yield
    }) : () -> ()
    %dma_start3A_81 = arith.constant 5 : i32
    %dma_start3A_82 = arith.constant 0 : i32
    %dma_start3A_83 = tpu.memref_slice %arg5[%dma_start3A_81, %dma_start3A_82] : memref<8x64xi32, #tpu.memory_space<vmem>> -> memref<1x64xi32, #tpu.memory_space<vmem>>
    %dma_start3A_84 = tpu.memref_squeeze %dma_start3A_83 : memref<1x64xi32, #tpu.memory_space<vmem>> -> memref<64xi32, #tpu.memory_space<vmem>>
    %dma_start3A_85 = arith.constant 0 : i32
    %dma_start3A_86 = arith.constant 0 : i32
    %dma_start3A_87 = tpu.memref_slice %arg2[%dma_start3A_85, %dma_start3A_86] : memref<4098x1024xf32, #tpu.memory_space<hbm>> -> memref<4098x1024xf32, #tpu.memory_space<hbm>>
    tpu.enqueue_indirect_dma source(%dma_start3A_87 : memref<4098x1024xf32, #tpu.memory_space<hbm>>) target(%arg6 : memref<64x1024xf32, #tpu.memory_space<vmem>>) offsets(%dma_start3A_84 : memref<64xi32, #tpu.memory_space<vmem>>) semaphore(%arg7 : memref<!tpu.dma_semaphore, #tpu.memory_space<semaphore_mem>>)
    %dma_wait3A_88 = arith.constant 5 : i32
    %dma_wait3A_89 = arith.constant 0 : i32
    %dma_wait3A_90 = tpu.memref_slice %arg5[%dma_wait3A_88, %dma_wait3A_89] : memref<8x64xi32, #tpu.memory_space<vmem>> -> memref<1x64xi32, #tpu.memory_space<vmem>>
    %dma_wait3A_91 = tpu.memref_squeeze %dma_wait3A_90 : memref<1x64xi32, #tpu.memory_space<vmem>> -> memref<64xi32, #tpu.memory_space<vmem>>
    %dma_wait3A_92 = arith.constant 0 : i32
    %dma_wait3A_93 = arith.constant 0 : i32
    %dma_wait3A_94 = tpu.memref_slice %arg2[%dma_wait3A_92, %dma_wait3A_93] : memref<4098x1024xf32, #tpu.memory_space<hbm>> -> memref<4098x1024xf32, #tpu.memory_space<hbm>>
    tpu.wait_indirect_dma semaphore(%arg7 : memref<!tpu.dma_semaphore, #tpu.memory_space<semaphore_mem>>) src(%dma_wait3A_94 : memref<4098x1024xf32, #tpu.memory_space<hbm>>) dst(%arg6 : memref<64x1024xf32, #tpu.memory_space<vmem>>)
    %add3A_95 = arith.constant 320 : i32
    %add3A_96 = arith.addi %mul3A_2, %add3A_95 : i32
    "tpu.region"() ({
      %run_scoped3A = tpu.sem_alloc : memref<!tpu.dma_semaphore, #tpu.memory_space<semaphore_mem>>
      %dma_start3A_129 = arith.constant 0 : i32
      %dma_start3A_130 = tpu.memref_slice %arg4[%add3A_96, %dma_start3A_129] : memref<16384x1024xf32, #tpu.memory_space<hbm>> -> memref<64x1024xf32, #tpu.memory_space<hbm>>
      %dma_start3A_131 = arith.constant 0 : i32
      %dma_start3A_132 = tpu.memref_slice %arg4[%add3A_96, %dma_start3A_131] : memref<16384x1024xf32, #tpu.memory_space<hbm>> -> memref<64x1024xf32, #tpu.memory_space<hbm>>
      tpu.enqueue_dma source(%arg6 : memref<64x1024xf32, #tpu.memory_space<vmem>>) target(%dma_start3A_132 : memref<64x1024xf32, #tpu.memory_space<hbm>>) target_semaphore(%run_scoped3A : memref<!tpu.dma_semaphore, #tpu.memory_space<semaphore_mem>>)
      %dma_wait3A_133 = arith.constant 0 : i32
      %dma_wait3A_134 = tpu.memref_slice %arg4[%add3A_96, %dma_wait3A_133] : memref<16384x1024xf32, #tpu.memory_space<hbm>> -> memref<64x1024xf32, #tpu.memory_space<hbm>>
      %dma_wait3A_135 = arith.constant 0 : i32
      %dma_wait3A_136 = tpu.memref_slice %arg4[%add3A_96, %dma_wait3A_135] : memref<16384x1024xf32, #tpu.memory_space<hbm>> -> memref<64x1024xf32, #tpu.memory_space<hbm>>
      tpu.wait_dma2 semaphore(%run_scoped3A : memref<!tpu.dma_semaphore, #tpu.memory_space<semaphore_mem>>) src(%arg6 : memref<64x1024xf32, #tpu.memory_space<vmem>>) dst(%dma_wait3A_136 : memref<64x1024xf32, #tpu.memory_space<hbm>>)
      tpu.yield
    }) : () -> ()
    %dma_start3A_97 = arith.constant 6 : i32
    %dma_start3A_98 = arith.constant 0 : i32
    %dma_start3A_99 = tpu.memref_slice %arg5[%dma_start3A_97, %dma_start3A_98] : memref<8x64xi32, #tpu.memory_space<vmem>> -> memref<1x64xi32, #tpu.memory_space<vmem>>
    %dma_start3A_100 = tpu.memref_squeeze %dma_start3A_99 : memref<1x64xi32, #tpu.memory_space<vmem>> -> memref<64xi32, #tpu.memory_space<vmem>>
    %dma_start3A_101 = arith.constant 0 : i32
    %dma_start3A_102 = arith.constant 0 : i32
    %dma_start3A_103 = tpu.memref_slice %arg2[%dma_start3A_101, %dma_start3A_102] : memref<4098x1024xf32, #tpu.memory_space<hbm>> -> memref<4098x1024xf32, #tpu.memory_space<hbm>>
    tpu.enqueue_indirect_dma source(%dma_start3A_103 : memref<4098x1024xf32, #tpu.memory_space<hbm>>) target(%arg6 : memref<64x1024xf32, #tpu.memory_space<vmem>>) offsets(%dma_start3A_100 : memref<64xi32, #tpu.memory_space<vmem>>) semaphore(%arg7 : memref<!tpu.dma_semaphore, #tpu.memory_space<semaphore_mem>>)
    %dma_wait3A_104 = arith.constant 6 : i32
    %dma_wait3A_105 = arith.constant 0 : i32
    %dma_wait3A_106 = tpu.memref_slice %arg5[%dma_wait3A_104, %dma_wait3A_105] : memref<8x64xi32, #tpu.memory_space<vmem>> -> memref<1x64xi32, #tpu.memory_space<vmem>>
    %dma_wait3A_107 = tpu.memref_squeeze %dma_wait3A_106 : memref<1x64xi32, #tpu.memory_space<vmem>> -> memref<64xi32, #tpu.memory_space<vmem>>
    %dma_wait3A_108 = arith.constant 0 : i32
    %dma_wait3A_109 = arith.constant 0 : i32
    %dma_wait3A_110 = tpu.memref_slice %arg2[%dma_wait3A_108, %dma_wait3A_109] : memref<4098x1024xf32, #tpu.memory_space<hbm>> -> memref<4098x1024xf32, #tpu.memory_space<hbm>>
    tpu.wait_indirect_dma semaphore(%arg7 : memref<!tpu.dma_semaphore, #tpu.memory_space<semaphore_mem>>) src(%dma_wait3A_110 : memref<4098x1024xf32, #tpu.memory_space<hbm>>) dst(%arg6 : memref<64x1024xf32, #tpu.memory_space<vmem>>)
    %add3A_111 = arith.constant 384 : i32
    %add3A_112 = arith.addi %mul3A_2, %add3A_111 : i32
    "tpu.region"() ({
      %run_scoped3A = tpu.sem_alloc : memref<!tpu.dma_semaphore, #tpu.memory_space<semaphore_mem>>
      %dma_start3A_129 = arith.constant 0 : i32
      %dma_start3A_130 = tpu.memref_slice %arg4[%add3A_112, %dma_start3A_129] : memref<16384x1024xf32, #tpu.memory_space<hbm>> -> memref<64x1024xf32, #tpu.memory_space<hbm>>
      %dma_start3A_131 = arith.constant 0 : i32
      %dma_start3A_132 = tpu.memref_slice %arg4[%add3A_112, %dma_start3A_131] : memref<16384x1024xf32, #tpu.memory_space<hbm>> -> memref<64x1024xf32, #tpu.memory_space<hbm>>
      tpu.enqueue_dma source(%arg6 : memref<64x1024xf32, #tpu.memory_space<vmem>>) target(%dma_start3A_132 : memref<64x1024xf32, #tpu.memory_space<hbm>>) target_semaphore(%run_scoped3A : memref<!tpu.dma_semaphore, #tpu.memory_space<semaphore_mem>>)
      %dma_wait3A_133 = arith.constant 0 : i32
      %dma_wait3A_134 = tpu.memref_slice %arg4[%add3A_112, %dma_wait3A_133] : memref<16384x1024xf32, #tpu.memory_space<hbm>> -> memref<64x1024xf32, #tpu.memory_space<hbm>>
      %dma_wait3A_135 = arith.constant 0 : i32
      %dma_wait3A_136 = tpu.memref_slice %arg4[%add3A_112, %dma_wait3A_135] : memref<16384x1024xf32, #tpu.memory_space<hbm>> -> memref<64x1024xf32, #tpu.memory_space<hbm>>
      tpu.wait_dma2 semaphore(%run_scoped3A : memref<!tpu.dma_semaphore, #tpu.memory_space<semaphore_mem>>) src(%arg6 : memref<64x1024xf32, #tpu.memory_space<vmem>>) dst(%dma_wait3A_136 : memref<64x1024xf32, #tpu.memory_space<hbm>>)
      tpu.yield
    }) : () -> ()
    %dma_start3A_113 = arith.constant 7 : i32
    %dma_start3A_114 = arith.constant 0 : i32
    %dma_start3A_115 = tpu.memref_slice %arg5[%dma_start3A_113, %dma_start3A_114] : memref<8x64xi32, #tpu.memory_space<vmem>> -> memref<1x64xi32, #tpu.memory_space<vmem>>
    %dma_start3A_116 = tpu.memref_squeeze %dma_start3A_115 : memref<1x64xi32, #tpu.memory_space<vmem>> -> memref<64xi32, #tpu.memory_space<vmem>>
    %dma_start3A_117 = arith.constant 0 : i32
    %dma_start3A_118 = arith.constant 0 : i32
    %dma_start3A_119 = tpu.memref_slice %arg2[%dma_start3A_117, %dma_start3A_118] : memref<4098x1024xf32, #tpu.memory_space<hbm>> -> memref<4098x1024xf32, #tpu.memory_space<hbm>>
    tpu.enqueue_indirect_dma source(%dma_start3A_119 : memref<4098x1024xf32, #tpu.memory_space<hbm>>) target(%arg6 : memref<64x1024xf32, #tpu.memory_space<vmem>>) offsets(%dma_start3A_116 : memref<64xi32, #tpu.memory_space<vmem>>) semaphore(%arg7 : memref<!tpu.dma_semaphore, #tpu.memory_space<semaphore_mem>>)
    %dma_wait3A_120 = arith.constant 7 : i32
    %dma_wait3A_121 = arith.constant 0 : i32
    %dma_wait3A_122 = tpu.memref_slice %arg5[%dma_wait3A_120, %dma_wait3A_121] : memref<8x64xi32, #tpu.memory_space<vmem>> -> memref<1x64xi32, #tpu.memory_space<vmem>>
    %dma_wait3A_123 = tpu.memref_squeeze %dma_wait3A_122 : memref<1x64xi32, #tpu.memory_space<vmem>> -> memref<64xi32, #tpu.memory_space<vmem>>
    %dma_wait3A_124 = arith.constant 0 : i32
    %dma_wait3A_125 = arith.constant 0 : i32
    %dma_wait3A_126 = tpu.memref_slice %arg2[%dma_wait3A_124, %dma_wait3A_125] : memref<4098x1024xf32, #tpu.memory_space<hbm>> -> memref<4098x1024xf32, #tpu.memory_space<hbm>>
    tpu.wait_indirect_dma semaphore(%arg7 : memref<!tpu.dma_semaphore, #tpu.memory_space<semaphore_mem>>) src(%dma_wait3A_126 : memref<4098x1024xf32, #tpu.memory_space<hbm>>) dst(%arg6 : memref<64x1024xf32, #tpu.memory_space<vmem>>)
    %add3A_127 = arith.constant 448 : i32
    %add3A_128 = arith.addi %mul3A_2, %add3A_127 : i32
    "tpu.region"() ({
      %run_scoped3A = tpu.sem_alloc : memref<!tpu.dma_semaphore, #tpu.memory_space<semaphore_mem>>
      %dma_start3A_129 = arith.constant 0 : i32
      %dma_start3A_130 = tpu.memref_slice %arg4[%add3A_128, %dma_start3A_129] : memref<16384x1024xf32, #tpu.memory_space<hbm>> -> memref<64x1024xf32, #tpu.memory_space<hbm>>
      %dma_start3A_131 = arith.constant 0 : i32
      %dma_start3A_132 = tpu.memref_slice %arg4[%add3A_128, %dma_start3A_131] : memref<16384x1024xf32, #tpu.memory_space<hbm>> -> memref<64x1024xf32, #tpu.memory_space<hbm>>
      tpu.enqueue_dma source(%arg6 : memref<64x1024xf32, #tpu.memory_space<vmem>>) target(%dma_start3A_132 : memref<64x1024xf32, #tpu.memory_space<hbm>>) target_semaphore(%run_scoped3A : memref<!tpu.dma_semaphore, #tpu.memory_space<semaphore_mem>>)
      %dma_wait3A_133 = arith.constant 0 : i32
      %dma_wait3A_134 = tpu.memref_slice %arg4[%add3A_128, %dma_wait3A_133] : memref<16384x1024xf32, #tpu.memory_space<hbm>> -> memref<64x1024xf32, #tpu.memory_space<hbm>>
      %dma_wait3A_135 = arith.constant 0 : i32
      %dma_wait3A_136 = tpu.memref_slice %arg4[%add3A_128, %dma_wait3A_135] : memref<16384x1024xf32, #tpu.memory_space<hbm>> -> memref<64x1024xf32, #tpu.memory_space<hbm>>
      tpu.wait_dma2 semaphore(%run_scoped3A : memref<!tpu.dma_semaphore, #tpu.memory_space<semaphore_mem>>) src(%arg6 : memref<64x1024xf32, #tpu.memory_space<vmem>>) dst(%dma_wait3A_136 : memref<64x1024xf32, #tpu.memory_space<hbm>>)
      tpu.yield
    }) : () -> ()
    return
  }
}

module attributes {stable_mosaic.version = 14 : i64} {
  func.func @_positions_body(%arg0: memref<4x4096xi32, #tpu.memory_space<vmem>>, %arg1: memref<4x4096xi32, #tpu.memory_space<vmem>>) attributes {dimension_semantics = [], scalar_prefetch = 0 : i64, scratch_operands = 0 : i64, tpu.core_type = #tpu.core_type<tc>} {
    %get3A = arith.constant 0 : index
    %get3A_0 = arith.constant 0 : index
    %get3A_1 = vector.load %arg0[%get3A, %get3A_0] : memref<4x4096xi32, #tpu.memory_space<vmem>>, vector<4x4096xi32>
    %ne3A = arith.constant 1 : i32
    %ne3A_2 = vector.broadcast %ne3A : i32 to vector<4x4096xi32>
    %ne3A_3 = arith.cmpi ne, %get3A_1, %ne3A_2 : vector<4x4096xi32>
    %convert_element_type3A = arith.extui %ne3A_3 : vector<4x4096xi1> to vector<4x4096xi32>
    %broadcast_in_dim3A = arith.constant 0 : i32
    %broadcast_in_dim3A_4 = vector.broadcast %broadcast_in_dim3A : i32 to vector<4x1xi32>
    %slice3A = vector.extract_strided_slice %convert_element_type3A {offsets = [0, 0], sizes = [4, 4095], strides = [1, 1]} : vector<4x4096xi32> to vector<4x4095xi32>
    %concatenate3A = tpu.concatenate %broadcast_in_dim3A_4, %slice3A in 1 : vector<4x1xi32>, vector<4x4095xi32> -> vector<4x4096xi32>
    %add3A = arith.addi %convert_element_type3A, %concatenate3A : vector<4x4096xi32>
    %broadcast_in_dim3A_5 = arith.constant 0 : i32
    %broadcast_in_dim3A_6 = vector.broadcast %broadcast_in_dim3A_5 : i32 to vector<4x2xi32>
    %slice3A_7 = vector.extract_strided_slice %add3A {offsets = [0, 0], sizes = [4, 4094], strides = [1, 1]} : vector<4x4096xi32> to vector<4x4094xi32>
    %concatenate3A_8 = tpu.concatenate %broadcast_in_dim3A_6, %slice3A_7 in 1 : vector<4x2xi32>, vector<4x4094xi32> -> vector<4x4096xi32>
    %add3A_9 = arith.addi %add3A, %concatenate3A_8 : vector<4x4096xi32>
    %broadcast_in_dim3A_10 = arith.constant 0 : i32
    %broadcast_in_dim3A_11 = vector.broadcast %broadcast_in_dim3A_10 : i32 to vector<4x4xi32>
    %slice3A_12 = vector.extract_strided_slice %add3A_9 {offsets = [0, 0], sizes = [4, 4092], strides = [1, 1]} : vector<4x4096xi32> to vector<4x4092xi32>
    %concatenate3A_13 = tpu.concatenate %broadcast_in_dim3A_11, %slice3A_12 in 1 : vector<4x4xi32>, vector<4x4092xi32> -> vector<4x4096xi32>
    %add3A_14 = arith.addi %add3A_9, %concatenate3A_13 : vector<4x4096xi32>
    %broadcast_in_dim3A_15 = arith.constant 0 : i32
    %broadcast_in_dim3A_16 = vector.broadcast %broadcast_in_dim3A_15 : i32 to vector<4x8xi32>
    %slice3A_17 = vector.extract_strided_slice %add3A_14 {offsets = [0, 0], sizes = [4, 4088], strides = [1, 1]} : vector<4x4096xi32> to vector<4x4088xi32>
    %concatenate3A_18 = tpu.concatenate %broadcast_in_dim3A_16, %slice3A_17 in 1 : vector<4x8xi32>, vector<4x4088xi32> -> vector<4x4096xi32>
    %add3A_19 = arith.addi %add3A_14, %concatenate3A_18 : vector<4x4096xi32>
    %broadcast_in_dim3A_20 = arith.constant 0 : i32
    %broadcast_in_dim3A_21 = vector.broadcast %broadcast_in_dim3A_20 : i32 to vector<4x16xi32>
    %slice3A_22 = vector.extract_strided_slice %add3A_19 {offsets = [0, 0], sizes = [4, 4080], strides = [1, 1]} : vector<4x4096xi32> to vector<4x4080xi32>
    %concatenate3A_23 = tpu.concatenate %broadcast_in_dim3A_21, %slice3A_22 in 1 : vector<4x16xi32>, vector<4x4080xi32> -> vector<4x4096xi32>
    %add3A_24 = arith.addi %add3A_19, %concatenate3A_23 : vector<4x4096xi32>
    %broadcast_in_dim3A_25 = arith.constant 0 : i32
    %broadcast_in_dim3A_26 = vector.broadcast %broadcast_in_dim3A_25 : i32 to vector<4x32xi32>
    %slice3A_27 = vector.extract_strided_slice %add3A_24 {offsets = [0, 0], sizes = [4, 4064], strides = [1, 1]} : vector<4x4096xi32> to vector<4x4064xi32>
    %concatenate3A_28 = tpu.concatenate %broadcast_in_dim3A_26, %slice3A_27 in 1 : vector<4x32xi32>, vector<4x4064xi32> -> vector<4x4096xi32>
    %add3A_29 = arith.addi %add3A_24, %concatenate3A_28 : vector<4x4096xi32>
    %broadcast_in_dim3A_30 = arith.constant 0 : i32
    %broadcast_in_dim3A_31 = vector.broadcast %broadcast_in_dim3A_30 : i32 to vector<4x64xi32>
    %slice3A_32 = vector.extract_strided_slice %add3A_29 {offsets = [0, 0], sizes = [4, 4032], strides = [1, 1]} : vector<4x4096xi32> to vector<4x4032xi32>
    %concatenate3A_33 = tpu.concatenate %broadcast_in_dim3A_31, %slice3A_32 in 1 : vector<4x64xi32>, vector<4x4032xi32> -> vector<4x4096xi32>
    %add3A_34 = arith.addi %add3A_29, %concatenate3A_33 : vector<4x4096xi32>
    %broadcast_in_dim3A_35 = arith.constant 0 : i32
    %broadcast_in_dim3A_36 = vector.broadcast %broadcast_in_dim3A_35 : i32 to vector<4x128xi32>
    %slice3A_37 = vector.extract_strided_slice %add3A_34 {offsets = [0, 0], sizes = [4, 3968], strides = [1, 1]} : vector<4x4096xi32> to vector<4x3968xi32>
    %concatenate3A_38 = tpu.concatenate %broadcast_in_dim3A_36, %slice3A_37 in 1 : vector<4x128xi32>, vector<4x3968xi32> -> vector<4x4096xi32>
    %add3A_39 = arith.addi %add3A_34, %concatenate3A_38 : vector<4x4096xi32>
    %broadcast_in_dim3A_40 = arith.constant 0 : i32
    %broadcast_in_dim3A_41 = vector.broadcast %broadcast_in_dim3A_40 : i32 to vector<4x256xi32>
    %slice3A_42 = vector.extract_strided_slice %add3A_39 {offsets = [0, 0], sizes = [4, 3840], strides = [1, 1]} : vector<4x4096xi32> to vector<4x3840xi32>
    %concatenate3A_43 = tpu.concatenate %broadcast_in_dim3A_41, %slice3A_42 in 1 : vector<4x256xi32>, vector<4x3840xi32> -> vector<4x4096xi32>
    %add3A_44 = arith.addi %add3A_39, %concatenate3A_43 : vector<4x4096xi32>
    %broadcast_in_dim3A_45 = arith.constant 0 : i32
    %broadcast_in_dim3A_46 = vector.broadcast %broadcast_in_dim3A_45 : i32 to vector<4x512xi32>
    %slice3A_47 = vector.extract_strided_slice %add3A_44 {offsets = [0, 0], sizes = [4, 3584], strides = [1, 1]} : vector<4x4096xi32> to vector<4x3584xi32>
    %concatenate3A_48 = tpu.concatenate %broadcast_in_dim3A_46, %slice3A_47 in 1 : vector<4x512xi32>, vector<4x3584xi32> -> vector<4x4096xi32>
    %add3A_49 = arith.addi %add3A_44, %concatenate3A_48 : vector<4x4096xi32>
    %broadcast_in_dim3A_50 = arith.constant 0 : i32
    %broadcast_in_dim3A_51 = vector.broadcast %broadcast_in_dim3A_50 : i32 to vector<4x1024xi32>
    %slice3A_52 = vector.extract_strided_slice %add3A_49 {offsets = [0, 0], sizes = [4, 3072], strides = [1, 1]} : vector<4x4096xi32> to vector<4x3072xi32>
    %concatenate3A_53 = tpu.concatenate %broadcast_in_dim3A_51, %slice3A_52 in 1 : vector<4x1024xi32>, vector<4x3072xi32> -> vector<4x4096xi32>
    %add3A_54 = arith.addi %add3A_49, %concatenate3A_53 : vector<4x4096xi32>
    %broadcast_in_dim3A_55 = arith.constant 0 : i32
    %broadcast_in_dim3A_56 = vector.broadcast %broadcast_in_dim3A_55 : i32 to vector<4x2048xi32>
    %slice3A_57 = vector.extract_strided_slice %add3A_54 {offsets = [0, 0], sizes = [4, 2048], strides = [1, 1]} : vector<4x4096xi32> to vector<4x2048xi32>
    %concatenate3A_58 = tpu.concatenate %broadcast_in_dim3A_56, %slice3A_57 in 1 : vector<4x2048xi32>, vector<4x2048xi32> -> vector<4x4096xi32>
    %add3A_59 = arith.addi %add3A_54, %concatenate3A_58 : vector<4x4096xi32>
    %mul3A = arith.muli %add3A_59, %convert_element_type3A : vector<4x4096xi32>
    %add3A_60 = arith.constant 1 : i32
    %add3A_61 = vector.broadcast %add3A_60 : i32 to vector<4x4096xi32>
    %add3A_62 = arith.addi %mul3A, %add3A_61 : vector<4x4096xi32>
    %swap3A = arith.constant 0 : index
    %swap3A_63 = arith.constant 0 : index
    %swap3A_64 = vector.load %arg1[%swap3A, %swap3A_63] : memref<4x4096xi32, #tpu.memory_space<vmem>>, vector<4x4096xi32>
    tpu.vector_store %arg1[%swap3A, %swap3A_63], %add3A_62 {strides = array<i32>} : memref<4x4096xi32, #tpu.memory_space<vmem>>, vector<4x4096xi32>,
    return
  }
}

</mosaic_0001>

<sc_bundles>
// kernel: kernel.4.cloned.1.call-start
scs
__scs_entry_jumppad:
0x0: {  	(pc) =	sbr.rel $0x88, $3  }
0x1: {  	(tag) =	ssettag $0x0;
	lr =	simm.s32 $0x1  }
0x2: {  	[smem:$0x3F9F] =	sst lr;
	_ =	strace $0xD0000000  }
0x3: {  	_ = 	snop  }
0x4: {  	_ = 	snop  }
0x5: {  	_ = 	snop  }
0x6: {  	_ = 	snop  }
0x7: {  	_ = 	snop  }
__scs_overlays_trampoline_lowered:
0x8: {  	[smem:$0x3FAE] =	sst s0  }
0x9: {  	[smem:$0x3FAF] =	sst s1  }
0xa: {  	[smem:$0x3FB0] =	sst s2  }
0xb: {  	[smem:$0x3FB1] =	sst s3  }
0xc: {  	[smem:$0x3FB2] =	sst s4  }
0xd: {  	[smem:$0x3FB3] =	sst s5  }
0xe: {  	[smem:$0x3FB4] =	sst s6  }
0xf: {  	[smem:$0x3FB5] =	sst s7  }
0x10: {  	[smem:$0x3FB6] =	sst s8  }
0x11: {  	[smem:$0x3FB7] =	sst s9;
	s0 =	simm.s32 @!p0 $0x0  }
0x12: {  	s1 =	sld [smem:$0x3F9D];
	s0 =	simm.s32 @p0 $0x1  }
0x13: {  	[smem:$0x3FB8] =	sst s0;
	s0 =	simm.s32 @!p1 $0x0  }
0x14: {  	s2 =	sld [smem:$0x3F9C];
	s0 =	simm.s32 @p1 $0x1  }
0x15: {  	[smem:$0x3FB9] =	sst s0;
	s0 =	simm.s32 @!p2 $0x0  }
0x16: {  	s3 =	sld [smem:$0x3FDB];
	s0 =	simm.s32 @p2 $0x1  }
0x17: {  	s4 =	simm.s32 $0x1BF5;
	[smem:$0x3FBB] =	sst s0  }
0x18: {  	s0 =	sld [smem:$0x3F9E];
	_ =	swait.ge [sflag:s4], $0x0  }
0x19: {  	s7 =	sld [smem:$0x3F9F]  }
0x1a: {  	s8 =	sadd.s32 $0xFFFFE003, lr  }
0x1b: {  	s9 =	sadd.s32 $0xFFFFFEF7, lr;
	s5 =	simm.s32 $0xFFFFFFFF;
	p2 =	slt.u32 s8, $0xFFFFF086  }
0x1c: {  	p1 =	slt.u32 s9, $0xF7A;
	s5 =	simm.s32 @!p2 $0x0  }
0x1d: {  	s5 =	simm.s32 @p1 $0x1;
	p0 =	seq.s32 s7, s2  }
0x1e: {  	s7 =	smul.u32 @!p0 $0xF7A, s2;
	p2 =	seq.s32 @!p0 s5, $0x0  }
0x1f: {  	s9 =	smul.u32 $0xF7A, s1;
	s8 =	simm.s32 @!p0 $0x1BF5;
	p2 =	por !p2, p0  }
0x20: {  	[sflag:s8] =	ssyncset.s32 @!p0 $0xFFFFF086;
	s6 =	sadd.s32 @!p0 s3, s7;
	s7 =	simm.s32 @!p0 $0x108  }
0x21: {  	s3 =	sadd.s32 s3, s9;
	s6 =	sadd.s32 @!p0 $0x88, s6;
	s7 =	simm.s32 @p2 $0x1082  }
0x22: {  	[simem:s7], [sflag:s8] =	dma.local @!p0 [hbm:s6], $0xF7A  }
0x23: {  	s9 =	sor.u32 $0xD0000000, s2;
	s6 =	simm.s32 $0x108;
	_ =	swait.ge @!p0 [sflag:s8], $0x0  }
0x24: {  	s3 =	sadd.s32 $0x88, s3;
	s6 =	simm.s32 @!p1 $0x1082;
	[sflag:s4] =	ssyncset.s32 $0xFFFFF086  }
0x25: {  	[simem:s6], [sflag:s4] =	dma.local [hbm:s3], $0xF7A  }
0x26: {  	[smem:$0x3F9F] =	sst s1;
	(tag) =	ssettag s2;
	_ =	strace s9  }
0x27: {  	s1 =	sld [smem:$0x3FAF]  }
0x28: {  	s2 =	sld [smem:$0x3FB0]  }
0x29: {  	s4 =	sld [smem:$0x3FB2]  }
0x2a: {  	p0 =	seq.s32 s5, $0x0;
	s5 =	sld [smem:$0x3FB3]  }
0x2b: {  	s6 =	sld [smem:$0x3FB4]  }
0x2c: {  	s7 =	sld [smem:$0x3FB5]  }
0x2d: {  	s3 =	simm.s32 $0x108;
	s8 =	sld [smem:$0x3FB6]  }
0x2e: {  	s3 =	simm.s32 @!p0 $0x1082;
	s9 =	sld [smem:$0x3FB7]  }
0x2f: {  	lr =	sadd.s32 s0, s3;
	s0 =	sld [smem:$0x3FAE]  }
0x30: {  	s3 =	sld [smem:$0x3FB1]  }
0x31: {  	[smem:$0x3FBA] =	sst s10  }
0x32: {  	s10 =	sld [smem:$0x3FB8];
	_ =	sdelay $0x3  }
0x33: {  	p0 =	seq.s32 s10, $0x1;
	s10 =	sld [smem:$0x3FBA];
	_ =	sdelay $0x3  }
0x34: {  	[smem:$0x3FBA] =	sst s10  }
0x35: {  	s10 =	sld [smem:$0x3FB9];
	_ =	sdelay $0x3  }
0x36: {  	p1 =	seq.s32 s10, $0x1;
	s10 =	sld [smem:$0x3FBA];
	_ =	sdelay $0x3  }
0x37: {  	[smem:$0x3FBA] =	sst s10  }
0x38: {  	s10 =	sld [smem:$0x3FBB]  }
0x39: {  	_ = 	snop;
	(pc) =	sbr.ind lr, $3  }
0x3a: {  	_ = 	snop  }
0x3b: {  	_ = 	snop  }
0x3c: {  	p2 =	seq.s32 s10, $0x1;
	s10 =	sld [smem:$0x3FBA]  }
0x3d: {  	_ =	shalt  }
0x3e: {  	_ =	shalt  }
0x3f: {  	_ =	shalt  }
0x40: {  	_ =	shalt  }
0x41: {  	_ =	shalt  }
0x42: {  	_ =	shalt  }
0x43: {  	_ =	shalt  }
0x44: {  	_ =	shalt  }
0x45: {  	_ =	shalt  }
0x46: {  	_ =	shalt  }
0x47: {  	_ =	shalt  }
0x48: {  	_ =	shalt  }
0x49: {  	_ =	shalt  }
0x4a: {  	_ =	shalt  }
0x4b: {  	_ =	shalt  }
0x4c: {  	_ =	shalt  }
0x4d: {  	_ =	shalt  }
0x4e: {  	_ =	shalt  }
0x4f: {  	_ =	shalt  }
0x50: {  	_ =	shalt  }
0x51: {  	_ =	shalt  }
0x52: {  	_ =	shalt  }
0x53: {  	_ =	shalt  }
0x54: {  	_ =	shalt  }
0x55: {  	_ =	shalt  }
0x56: {  	_ =	shalt  }
0x57: {  	_ =	shalt  }
0x58: {  	_ =	shalt  }
0x59: {  	_ =	shalt  }
0x5a: {  	_ =	shalt  }
0x5b: {  	_ =	shalt  }
0x5c: {  	_ =	shalt  }
0x5d: {  	_ =	shalt  }
0x5e: {  	_ =	shalt  }
0x5f: {  	_ =	shalt  }
0x60: {  	_ =	shalt  }
0x61: {  	_ =	shalt  }
0x62: {  	_ =	shalt  }
0x63: {  	_ =	shalt  }
0x64: {  	_ =	shalt  }
0x65: {  	_ =	shalt  }
0x66: {  	_ =	shalt  }
0x67: {  	_ =	shalt  }
0x68: {  	_ =	shalt  }
0x69: {  	_ =	shalt  }
0x6a: {  	_ =	shalt  }
0x6b: {  	_ =	shalt  }
0x6c: {  	_ =	shalt  }
0x6d: {  	_ =	shalt  }
0x6e: {  	_ =	shalt  }
0x6f: {  	_ =	shalt  }
0x70: {  	_ =	shalt  }
0x71: {  	_ =	shalt  }
0x72: {  	_ =	shalt  }
0x73: {  	_ =	shalt  }
0x74: {  	_ =	shalt  }
0x75: {  	_ =	shalt  }
0x76: {  	_ =	shalt  }
0x77: {  	_ =	shalt  }
0x78: {  	_ =	shalt  }
0x79: {  	_ =	shalt  }
0x7a: {  	_ =	shalt  }
0x7b: {  	_ =	shalt  }
0x7c: {  	_ =	shalt  }
0x7d: {  	_ =	shalt  }
0x7e: {  	_ =	shalt  }
0x7f: {  	_ =	shalt  }
0x80: {  	_ =	shalt  }
0x81: {  	_ =	shalt  }
0x82: {  	_ =	shalt  }
0x83: {  	_ =	shalt  }
0x84: {  	_ =	shalt  }
0x85: {  	_ =	shalt  }
0x86: {  	_ =	shalt  }
0x87: {  	_ =	shalt  }
.Lfunc_end0:
.L_simem_size_0:
called_computation_lowered:
.L_overlay_start_0:
0x88: {  	s2 =	sld [smem:$0x3FD9]  }
0x89: {  	s3 =	sld [smem:$0x3FFE];
	_ =	sdelay $0x1  }
0x8a: {  	s1 =	srdreg.scid  }
0x8b: {  	s0 =	sand.u32 $0x1, s1  }
0x8c: {  	s17 =	sshll.u32 s0, $0xA;
	s2 =	sadd.s32 s3, s2  }
0x8d: {  	s2 =	sadd.s32 s2, s17  }
0x8e: {  	[smem:$0x3FC6] =	sst s2  }
0x8f: {  	_ = 	snop  }
0x90: {  	s2 =	sld [smem:$0x3FC8]  }
0x91: {  	s18 =	sld [smem:$0x3FD0];
	(tm) =	ssettm $0x1  }
0x92: {  	s4 =	sld [smem:$0x3FFB];
	_ =	sdelay $0x3  }
0x93: {  	_ =	strace s4  }
0x94: {  	s4 =	sld [smem:$0x3FFC];
	_ =	sdelay $0x3  }
0x95: {  	_ =	strace s4  }
0x96: {  	s4 =	sld [smem:$0x3FFD];
	_ =	sdelay $0x3  }
0x97: {  	_ =	strace s4  }
0x98: {  	_ =	strace $0x8FFFFFFF  }
0x99: {  	s19 =	sld [smem:$0x3FDB];
	_ =	sdelay $0x1  }
0x9a: {  	s5 =	simm.s32 $_scs_section_size  }
0x9b: {  	s6 =	simm.s32 $_size__tile_overlayer_lowered;
	s7 =	simm.s32 $_tile_overlayer_lowered  }
0x9c: {  	s22 =	simm.s32 $0x1BFF;
	s21 =	sshll.u32 s7, $0x1;
	s4 =	sadd.s32 s5, s19  }
0x9d: {  	s8 =	simm.s32 $0x0;
	s20 =	sshll.u32 s6, $0x1;
	s6 =	sadd.s32 s21, s4  }
0x9e: {  	[timem:s8], [sflag:s22] =	dma.local [hbm:s6], s20  }
0x9f: {  	_ =	swait.ge [sflag:s22], s20  }
0xa0: {  	s5 =	ssub.s32 $0x0, s20;
	[sflag:s22] =	ssyncset.done $0x0  }
0xa1: {  	[sflag:s22] =	ssyncadd.s32 s5;
	_ =	sdelay $0x1  }
0xa2: {  	s23 =	simm.s32 $0x1B8B  }
0xa3: {  	_ =	swait.ge [sflag:s23], $0x1  }
0xa4: {  	[sflag:s23] =	ssyncset.done $0x0  }
0xa5: {  	s25 =	simm.s32 $0x1B8E;
	s24 =	sld [smem:$0x3FFE];
	[sflag:s23] =	ssyncadd.s32 $0xFFFFFFFF  }
0xa6: {  	s26 =	simm.s32 $execute0_lowered;
	[smem:$0x3FD2] =	sst s25  }
0xa7: {  	s6 =	sshll.u32 s26, $0x1;
	_ =	strace $0x80000046;
	[dreg:$0x1] =	wrdreg $0xFFFFFFFF  }
0xa8: {  	s28 =	simm.s32 $_size_execute0_lowered;
	s4 =	sadd.s32 s4, s6;
	[dreg:$0x0] =	wrdreg $0x0  }
0xa9: {  	s6 =	sshll.u32 s28, $0x1;
	[dreg:$0x2] =	wrdreg s4  }
0xaa: {  	[dreg:$0x3] =	wrdreg s6  }
0xab: {  	[dreg:$0x4] =	wrdreg $0xC0  }
0xac: {  	_ =	task [dreg:s8], $0x5FFFF  }
0xad: {  	[dreg:$0x1] =	wrdreg $0xFFFFFFFF  }
0xae: {  	[dreg:$0x0] =	wrdreg $0x60  }
0xaf: {  	[dreg:$0x2] =	wrdreg s2  }
0xb0: {  	[dreg:$0x3] =	wrdreg s24  }
0xb1: {  	[dreg:$0x4] =	wrdreg s18  }
0xb2: {  	[dreg:$0x5] =	wrdreg $0x9  }
0xb3: {  	_ =	task.clear_ibuf [dreg:s8], $0x6FFFF;
	_ =	strace $0x90000046  }
0xb4: {  	s29 =	simm.s32 $0x9;
	_ =	strace $0x80000048  }
0xb5: {  	_ =	swait.ge [sflag:s29], $0x1  }
0xb6: {  	[sflag:s29] =	ssyncadd.s32 $0xFFFFFFFF  }
0xb7: {  	_ =	strace $0x90000048  }
0xb8: {  	_ =	sfence  }
0xb9: {  	s30 =	sld [smem:$0x0];
	_ =	sdelay $0x2  }
0xba: {  	s31 =	sshll.u32 s1, $0xD;
	s1 =	sshrl.u32 s1, $0x2  }
0xbb: {  	s3 =	sand.u32 $0x4000, s31;
	s1 =	sadd.s32 s1, s30  }
0xbc: {  	s0 =	sor.u32 s3, s0;
	s1 =	sshll.u32 s1, $0x11  }
0xbd: {  	s0 =	sor.u32 s1, s0  }
0xbe: {  	s0 =	sadd.s32 $0x8F2B, s0  }
0xbf: {  	[sflag:s0] =	ssyncadd.remote.s32 $0x1  }
0xc0: {  	_ =	sfence.sel $0xFFFF  }
0xc1: {  	[dreg:$0x0] =	wrdreg $0xFFFFFFFF;
	(pc) =	sbr.abs _section_cstart, $3  }
0xc2: {  	[dreg:$0x1] =	wrdreg $0xFFFFFFFF  }
0xc3: {  	_ =	task.clear_ibuf [dreg:s8], $0x2FFFF;
	_ =	strace $0x9FFFFFFF  }
0xc4: {  	(tm) =	ssettm $0x7FFFFFFF  }
0xc5: {  	_ =	shalt  }
tec
execute0_lowered:
.L_overlay_start_1:
0x0: {  	(tag) =	ssettag $0x1  }
0x1: {  	s1 =	rddreg [dreg:$0x0]  }
0x2: {  	s0 =	srdreg.scid;
	s3 =	stileid.u32  }
0x3: {  	s2 =	rddreg [dreg:$0x1];
	s0 =	sand.u32 $0x1, s0;
	s3 =	sshll.u32 s3, $0x1  }
0x4: {  	s4 =	rddreg [dreg:$0x2];
	s9 =	simm.s32 $0x2;
	s5 =	sor.u32 s0, s3  }
0x5: {  	s3 =	simm.s32 $0x0;
	s6 =	sshll.u32 s5, $0x7;
	s5 =	sshll.u32 s5, $0x10  }
0x6: {  	[smem:$0x7FF] =	sst s3;
	s2 =	sadd.s32 s6, s2;
	s8 =	sadd.s32 s4, s5  }
0x7: {  	_ =	strace $0x80000047;
	s2 =	sadd.s32 $0x600, s2;
	[dreg:$0xc] =	wrdreg s8  }
0x8: {  	s10 =	simm.s32 $0x400;
	s23 =	sadd.s32 $0x2000, s8;
	[dreg:$0x4] =	wrdreg s2  }
0x9: {  	s19 =	simm.s32 $0x1;
	s24 =	sadd.s32 $0x4000, s8;
	[dreg:$0x5] =	wrdreg s23  }
0xa: {  	s7 =	sadd.s32 $0x300, s1;
	s26 =	sadd.s32 $0x6000, s8;
	[dreg:$0x6] =	wrdreg s24  }
0xb: {  	s0 =	ssub.s32 $0x2, s0;
	s28 =	sadd.s32 $0x8000, s8;
	[dreg:$0x7] =	wrdreg s26  }
0xc: {  	s25 =	sshrl.u32 s0, $0x1;
	s29 =	sadd.s32 $0xA000, s8;
	[dreg:$0x8] =	wrdreg s28  }
0xd: {  	v2 =	vlaneseq.u32;
	s0 =	ssub.s32 s0, s25;
	s30 =	sadd.s32 $0xC000, s8;
	[dreg:$0x9] =	wrdreg s29  }
0xe: {  	vm0 =	vmmov $0xffff;
	v1 =	vshrl.u32 v2, $0x3;
	s5 =	sadd.s32 $0x100, s1;
	s31 =	sadd.s32 $0xE000, s8;
	[dreg:$0xa] =	wrdreg s30  }
0xf: {  	v0 =	vand.u32 $0x7, v2;
	v2 =	vor.u32 $0x8, v2;
	v1 =	vmul.u32 $0x8, v1;
	s6 =	sadd.s32 $0x200, s1;
	s15 =	smax.u32 s0, $0x1;
	[dreg:$0xb] =	wrdreg s31  }
.LBB2_1:
0x10: {  	s20 =	rddreg [dreg:$0x4]  }
0x11: {  	[tilespmem:s3], [sflag:$0x2] =	stream.linear.gather [hbm4b:s20+s3], $0x400, $0x38;
	[tilespmem:$0x10400] =	vst v63  }
0x12: {  	_ =	swait.ge [sflag:s9], $0x400  }
0x13: {  	[sflag:s9] =	ssyncset.done $0x0  }
0x14: {  	[sflag:s9] =	ssyncadd.s32 $0xFFFFFC00  }
0x15: {  	v3 =	vld [tilespmem:$0x0];
	_ =	sdelay $0x4  }
0x16: {  	v4 =	vshll.u32 v3, $0x3  }
0x17: {  	v3 =	vand.u32 $0x7, v3;
	v4 =	vand.u32 $0xFFFFFFC0, v4  }
0x18: {  	v3 =	vor.u32 v3, v4  }
0x19: {  	v4 =	vperm.xlane v3, v0;
	_ =	sdelay $0x1  }
0x1a: {  	v4 =	vadd.s32 v1, v4;
	_ =	sdelay $0x4  }
0x1b: {  	[tilespmem:s10], [sflag:$0x1] =	stream.indirect_vreg.gather [hbm4b:s1+s3], $0x80, v4, vm0, $0xb8;
	[tilespmem:$0x10400] =	vst v63  }
0x1c: {  	s0 =	simm.s32 $0xC00;
	v3 =	vperm.xlane v3, v2  }
0x1d: {  	[tilespmem:s0], [sflag:$0x1] =	stream.indirect_vreg.gather [hbm4b:s5+s3], $0x80, v4, vm0, $0xb8;
	[tilespmem:$0x10400] =	vst v63  }
0x1e: {  	s24 =	simm.s32 $0x1400;
	v3 =	vadd.s32 v1, v3  }
0x1f: {  	[tilespmem:s24], [sflag:$0x1] =	stream.indirect_vreg.gather [hbm4b:s6+s3], $0x80, v4, vm0, $0xb8;
	[tilespmem:$0x10400] =	vst v63  }
0x20: {  	s25 =	simm.s32 $0x1C00  }
0x21: {  	[tilespmem:s25], [sflag:$0x1] =	stream.indirect_vreg.gather [hbm4b:s7+s3], $0x80, v4, vm0, $0xb8;
	[tilespmem:$0x10400] =	vst v63  }
0x22: {  	s26 =	simm.s32 $0x2400  }
0x23: {  	[tilespmem:s26], [sflag:$0x1] =	stream.indirect_vreg.gather [hbm4b:s1+s3], $0x80, v3, vm0, $0xb8;
	[tilespmem:$0x10400] =	vst v63  }
0x24: {  	s28 =	simm.s32 $0x2C00  }
0x25: {  	[tilespmem:s28], [sflag:$0x1] =	stream.indirect_vreg.gather [hbm4b:s5+s3], $0x80, v3, vm0, $0xb8;
	[tilespmem:$0x10400] =	vst v63  }
0x26: {  	s29 =	simm.s32 $0x3400  }
0x27: {  	[tilespmem:s29], [sflag:$0x1] =	stream.indirect_vreg.gather [hbm4b:s6+s3], $0x80, v3, vm0, $0xb8;
	[tilespmem:$0x10400] =	vst v63  }
0x28: {  	s30 =	simm.s32 $0x3C00  }
0x29: {  	[tilespmem:s30], [sflag:$0x1] =	stream.indirect_vreg.gather [hbm4b:s7+s3], $0x80, v3, vm0, $0xb8;
	[tilespmem:$0x10400] =	vst v63  }
0x2a: {  	v3 =	vld [tilespmem:$0x10];
	_ =	sdelay $0x4  }
0x2b: {  	v33 =	vshll.u32 v3, $0x3  }
0x2c: {  	v3 =	vand.u32 $0x7, v3;
	v4 =	vand.u32 $0xFFFFFFC0, v33  }
0x2d: {  	v3 =	vor.u32 v3, v4  }
0x2e: {  	v4 =	vperm.xlane v3, v0;
	_ =	sdelay $0x1  }
0x2f: {  	v4 =	vadd.s32 v1, v4;
	_ =	sdelay $0x3  }
0x30: {  	s31 =	simm.s32 $0x4400  }
0x31: {  	[tilespmem:s31], [sflag:$0x1] =	stream.indirect_vreg.gather [hbm4b:s1+s3], $0x80, v4, vm0, $0xb8;
	[tilespmem:$0x10400] =	vst v63  }
0x32: {  	s11 =	simm.s32 $0x4C00;
	v3 =	vperm.xlane v3, v2  }
0x33: {  	[tilespmem:s11], [sflag:$0x1] =	stream.indirect_vreg.gather [hbm4b:s5+s3], $0x80, v4, vm0, $0xb8;
	[tilespmem:$0x10400] =	vst v63  }
0x34: {  	s12 =	simm.s32 $0x5400;
	v3 =	vadd.s32 v1, v3  }
0x35: {  	[tilespmem:s12], [sflag:$0x1] =	stream.indirect_vreg.gather [hbm4b:s6+s3], $0x80, v4, vm0, $0xb8;
	[tilespmem:$0x10400] =	vst v63  }
0x36: {  	s13 =	simm.s32 $0x5C00  }
0x37: {  	[tilespmem:s13], [sflag:$0x1] =	stream.indirect_vreg.gather [hbm4b:s7+s3], $0x80, v4, vm0, $0xb8;
	[tilespmem:$0x10400] =	vst v63  }
0x38: {  	s14 =	simm.s32 $0x6400  }
0x39: {  	[tilespmem:s14], [sflag:$0x1] =	stream.indirect_vreg.gather [hbm4b:s1+s3], $0x80, v3, vm0, $0xb8;
	[tilespmem:$0x10400] =	vst v63  }
0x3a: {  	s16 =	simm.s32 $0x6C00  }
0x3b: {  	[tilespmem:s16], [sflag:$0x1] =	stream.indirect_vreg.gather [hbm4b:s5+s3], $0x80, v3, vm0, $0xb8;
	[tilespmem:$0x10400] =	vst v63  }
0x3c: {  	s20 =	simm.s32 $0x7400  }
0x3d: {  	[tilespmem:s20], [sflag:$0x1] =	stream.indirect_vreg.gather [hbm4b:s6+s3], $0x80, v3, vm0, $0xb8;
	[tilespmem:$0x10400] =	vst v63  }
0x3e: {  	s21 =	simm.s32 $0x7C00  }
0x3f: {  	[tilespmem:s21], [sflag:$0x1] =	stream.indirect_vreg.gather [hbm4b:s7+s3], $0x80, v3, vm0, $0xb8;
	[tilespmem:$0x10400] =	vst v63  }
0x40: {  	v3 =	vld [tilespmem:$0x20];
	_ =	sdelay $0x4  }
0x41: {  	v34 =	vshll.u32 v3, $0x3  }
0x42: {  	v3 =	vand.u32 $0x7, v3;
	v4 =	vand.u32 $0xFFFFFFC0, v34  }
0x43: {  	v3 =	vor.u32 v3, v4  }
0x44: {  	v4 =	vperm.xlane v3, v0;
	_ =	sdelay $0x1  }
0x45: {  	v4 =	vadd.s32 v1, v4;
	_ =	sdelay $0x3  }
0x46: {  	s23 =	simm.s32 $0x8400  }
0x47: {  	[tilespmem:s23], [sflag:$0x1] =	stream.indirect_vreg.gather [hbm4b:s1+s3], $0x80, v4, vm0, $0xb8;
	[tilespmem:$0x10400] =	vst v63  }
0x48: {  	s24 =	simm.s32 $0x8C00;
	v3 =	vperm.xlane v3, v2  }
0x49: {  	[tilespmem:s24], [sflag:$0x1] =	stream.indirect_vreg.gather [hbm4b:s5+s3], $0x80, v4, vm0, $0xb8;
	[tilespmem:$0x10400] =	vst v63  }
0x4a: {  	s25 =	simm.s32 $0x9400;
	v3 =	vadd.s32 v1, v3  }
0x4b: {  	[tilespmem:s25], [sflag:$0x1] =	stream.indirect_vreg.gather [hbm4b:s6+s3], $0x80, v4, vm0, $0xb8;
	[tilespmem:$0x10400] =	vst v63  }
0x4c: {  	s26 =	simm.s32 $0x9C00  }
0x4d: {  	[tilespmem:s26], [sflag:$0x1] =	stream.indirect_vreg.gather [hbm4b:s7+s3], $0x80, v4, vm0, $0xb8;
	[tilespmem:$0x10400] =	vst v63  }
0x4e: {  	s28 =	simm.s32 $0xA400  }
0x4f: {  	[tilespmem:s28], [sflag:$0x1] =	stream.indirect_vreg.gather [hbm4b:s1+s3], $0x80, v3, vm0, $0xb8;
	[tilespmem:$0x10400] =	vst v63  }
0x50: {  	s30 =	simm.s32 $0xAC00  }
0x51: {  	[tilespmem:s30], [sflag:$0x1] =	stream.indirect_vreg.gather [hbm4b:s5+s3], $0x80, v3, vm0, $0xb8;
	[tilespmem:$0x10400] =	vst v63  }
0x52: {  	s0 =	simm.s32 $0xB400  }
0x53: {  	[tilespmem:s0], [sflag:$0x1] =	stream.indirect_vreg.gather [hbm4b:s6+s3], $0x80, v3, vm0, $0xb8;
	[tilespmem:$0x10400] =	vst v63  }
0x54: {  	s11 =	simm.s32 $0xBC00  }
0x55: {  	[tilespmem:s11], [sflag:$0x1] =	stream.indirect_vreg.gather [hbm4b:s7+s3], $0x80, v3, vm0, $0xb8;
	[tilespmem:$0x10400] =	vst v63  }
0x56: {  	v3 =	vld [tilespmem:$0x30];
	_ =	sdelay $0x4  }
0x57: {  	v35 =	vshll.u32 v3, $0x3  }
0x58: {  	v3 =	vand.u32 $0x7, v3;
	v4 =	vand.u32 $0xFFFFFFC0, v35  }
0x59: {  	v3 =	vor.u32 v3, v4  }
0x5a: {  	v4 =	vperm.xlane v3, v0;
	_ =	sdelay $0x1  }
0x5b: {  	v4 =	vadd.s32 v1, v4;
	_ =	sdelay $0x3  }
0x5c: {  	s12 =	simm.s32 $0xC400  }
0x5d: {  	[tilespmem:s12], [sflag:$0x1] =	stream.indirect_vreg.gather [hbm4b:s1+s3], $0x80, v4, vm0, $0xb8;
	[tilespmem:$0x10400] =	vst v63  }
0x5e: {  	s13 =	simm.s32 $0xCC00;
	v3 =	vperm.xlane v3, v2  }
0x5f: {  	[tilespmem:s13], [sflag:$0x1] =	stream.indirect_vreg.gather [hbm4b:s5+s3], $0x80, v4, vm0, $0xb8;
	[tilespmem:$0x10400] =	vst v63  }
0x60: {  	s14 =	simm.s32 $0xD400;
	v3 =	vadd.s32 v1, v3  }
0x61: {  	[tilespmem:s14], [sflag:$0x1] =	stream.indirect_vreg.gather [hbm4b:s6+s3], $0x80, v4, vm0, $0xb8;
	[tilespmem:$0x10400] =	vst v63  }
0x62: {  	s16 =	simm.s32 $0xDC00  }
0x63: {  	[tilespmem:s16], [sflag:$0x1] =	stream.indirect_vreg.gather [hbm4b:s7+s3], $0x80, v4, vm0, $0xb8;
	[tilespmem:$0x10400] =	vst v63  }
0x64: {  	s24 =	simm.s32 $0xE400  }
0x65: {  	[tilespmem:s24], [sflag:$0x1] =	stream.indirect_vreg.gather [hbm4b:s1+s3], $0x80, v3, vm0, $0xb8;
	[tilespmem:$0x10400] =	vst v63  }
0x66: {  	s25 =	simm.s32 $0xEC00  }
0x67: {  	[tilespmem:s25], [sflag:$0x1] =	stream.indirect_vreg.gather [hbm4b:s5+s3], $0x80, v3, vm0, $0xb8;
	[tilespmem:$0x10400] =	vst v63  }
0x68: {  	s26 =	simm.s32 $0xF400  }
0x69: {  	[tilespmem:s26], [sflag:$0x1] =	stream.indirect_vreg.gather [hbm4b:s6+s3], $0x80, v3, vm0, $0xb8;
	[tilespmem:$0x10400] =	vst v63  }
0x6a: {  	s30 =	simm.s32 $0xFC00  }
0x6b: {  	[tilespmem:s30], [sflag:$0x1] =	stream.indirect_vreg.gather [hbm4b:s7+s3], $0x80, v3, vm0, $0xb8;
	[tilespmem:$0x10400] =	vst v63  }
0x6c: {  	_ =	swait.ge [sflag:s19], $0x10000  }
0x6d: {  	[sflag:s19] =	ssyncset.done $0x0  }
0x6e: {  	s0 =	rddreg [dreg:$0xc];
	[sflag:s19] =	ssyncadd.s32 $0xFFFF0000  }
0x6f: {  	[hbm4b:s0+s3] =	stream.linear.scatter [tilespmem:s10], [sflag:$0x2], $0x10000, $0x38;
	[tilespmem:$0x10400] =	vst v63  }
0x70: {  	_ =	swait.ge [sflag:s9], $0x10000  }
0x71: {  	[sflag:s9] =	ssyncset.done $0x0  }
0x72: {  	[sflag:s9] =	ssyncadd.s32 $0xFFFF0000  }
0x73: {  	v3 =	vld [tilespmem:$0x80];
	_ =	sdelay $0x4  }
0x74: {  	v36 =	vshll.u32 v3, $0x3  }
0x75: {  	v3 =	vand.u32 $0x7, v3;
	v4 =	vand.u32 $0xFFFFFFC0, v36  }
0x76: {  	v3 =	vor.u32 v3, v4  }
0x77: {  	v4 =	vperm.xlane v3, v0;
	_ =	sdelay $0x1  }
0x78: {  	v4 =	vadd.s32 v1, v4;
	_ =	sdelay $0x4  }
0x79: {  	[tilespmem:s10], [sflag:$0x1] =	stream.indirect_vreg.gather [hbm4b:s1+s3], $0x80, v4, vm0, $0xb8;
	[tilespmem:$0x10400] =	vst v63  }
0x7a: {  	s22 =	simm.s32 $0xC00;
	v3 =	vperm.xlane v3, v2  }
0x7b: {  	[tilespmem:s22], [sflag:$0x1] =	stream.indirect_vreg.gather [hbm4b:s5+s3], $0x80, v4, vm0, $0xb8;
	[tilespmem:$0x10400] =	vst v63  }
0x7c: {  	s2 =	simm.s32 $0x1400;
	v3 =	vadd.s32 v1, v3  }
0x7d: {  	[tilespmem:s2], [sflag:$0x1] =	stream.indirect_vreg.gather [hbm4b:s6+s3], $0x80, v4, vm0, $0xb8;
	[tilespmem:$0x10400] =	vst v63  }
0x7e: {  	s4 =	simm.s32 $0x1C00  }
0x7f: {  	[tilespmem:s4], [sflag:$0x1] =	stream.indirect_vreg.gather [hbm4b:s7+s3], $0x80, v4, vm0, $0xb8;
	[tilespmem:$0x10400] =	vst v63  }
0x80: {  	s8 =	simm.s32 $0x2400  }
0x81: {  	[tilespmem:s8], [sflag:$0x1] =	stream.indirect_vreg.gather [hbm4b:s1+s3], $0x80, v3, vm0, $0xb8;
	[tilespmem:$0x10400] =	vst v63  }
0x82: {  	s17 =	simm.s32 $0x2C00  }
0x83: {  	[tilespmem:s17], [sflag:$0x1] =	stream.indirect_vreg.gather [hbm4b:s5+s3], $0x80, v3, vm0, $0xb8;
	[tilespmem:$0x10400] =	vst v63  }
0x84: {  	s18 =	simm.s32 $0x3400  }
0x85: {  	[tilespmem:s18], [sflag:$0x1] =	stream.indirect_vreg.gather [hbm4b:s6+s3], $0x80, v3, vm0, $0xb8;
	[tilespmem:$0x10400] =	vst v63  }
0x86: {  	s29 =	simm.s32 $0x3C00  }
0x87: {  	[tilespmem:s29], [sflag:$0x1] =	stream.indirect_vreg.gather [hbm4b:s7+s3], $0x80, v3, vm0, $0xb8;
	[tilespmem:$0x10400] =	vst v63  }
0x88: {  	v3 =	vld [tilespmem:$0x90];
	_ =	sdelay $0x4  }
0x89: {  	v37 =	vshll.u32 v3, $0x3  }
0x8a: {  	v3 =	vand.u32 $0x7, v3;
	v4 =	vand.u32 $0xFFFFFFC0, v37  }
0x8b: {  	v3 =	vor.u32 v3, v4  }
0x8c: {  	v4 =	vperm.xlane v3, v0;
	_ =	sdelay $0x1  }
0x8d: {  	v4 =	vadd.s32 v1, v4;
	_ =	sdelay $0x3  }
0x8e: {  	s30 =	simm.s32 $0x4400  }
0x8f: {  	[tilespmem:s30], [sflag:$0x1] =	stream.indirect_vreg.gather [hbm4b:s1+s3], $0x80, v4, vm0, $0xb8;
	[tilespmem:$0x10400] =	vst v63  }
0x90: {  	s31 =	simm.s32 $0x4C00;
	v3 =	vperm.xlane v3, v2  }
0x91: {  	[tilespmem:s31], [sflag:$0x1] =	stream.indirect_vreg.gather [hbm4b:s5+s3], $0x80, v4, vm0, $0xb8;
	[tilespmem:$0x10400] =	vst v63  }
0x92: {  	v3 =	vadd.s32 v1, v3;
	s31 =	simm.s32 $0x5400  }
0x93: {  	[tilespmem:s31], [sflag:$0x1] =	stream.indirect_vreg.gather [hbm4b:s6+s3], $0x80, v4, vm0, $0xb8;
	[tilespmem:$0x10400] =	vst v63  }
0x94: {  	s2 =	simm.s32 $0x5C00  }
0x95: {  	[tilespmem:s2], [sflag:$0x1] =	stream.indirect_vreg.gather [hbm4b:s7+s3], $0x80, v4, vm0, $0xb8;
	[tilespmem:$0x10400] =	vst v63  }
0x96: {  	s0 =	simm.s32 $0x6400  }
0x97: {  	[tilespmem:s0], [sflag:$0x1] =	stream.indirect_vreg.gather [hbm4b:s1+s3], $0x80, v3, vm0, $0xb8;
	[tilespmem:$0x10400] =	vst v63  }
0x98: {  	s4 =	simm.s32 $0x6C00  }
0x99: {  	[tilespmem:s4], [sflag:$0x1] =	stream.indirect_vreg.gather [hbm4b:s5+s3], $0x80, v3, vm0, $0xb8;
	[tilespmem:$0x10400] =	vst v63  }
0x9a: {  	s8 =	simm.s32 $0x7400  }
0x9b: {  	[tilespmem:s8], [sflag:$0x1] =	stream.indirect_vreg.gather [hbm4b:s6+s3], $0x80, v3, vm0, $0xb8;
	[tilespmem:$0x10400] =	vst v63  }
0x9c: {  	s21 =	simm.s32 $0x7C00  }
0x9d: {  	[tilespmem:s21], [sflag:$0x1] =	stream.indirect_vreg.gather [hbm4b:s7+s3], $0x80, v3, vm0, $0xb8;
	[tilespmem:$0x10400] =	vst v63  }
0x9e: {  	v3 =	vld [tilespmem:$0xA0];
	_ =	sdelay $0x4  }
0x9f: {  	v38 =	vshll.u32 v3, $0x3  }
0xa0: {  	v3 =	vand.u32 $0x7, v3;
	v4 =	vand.u32 $0xFFFFFFC0, v38  }
0xa1: {  	v3 =	vor.u32 v3, v4  }
0xa2: {  	v4 =	vperm.xlane v3, v0;
	_ =	sdelay $0x1  }
0xa3: {  	v4 =	vadd.s32 v1, v4;
	_ =	sdelay $0x3  }
0xa4: {  	s22 =	simm.s32 $0x8400  }
0xa5: {  	[tilespmem:s22], [sflag:$0x1] =	stream.indirect_vreg.gather [hbm4b:s1+s3], $0x80, v4, vm0, $0xb8;
	[tilespmem:$0x10400] =	vst v63  }
0xa6: {  	s29 =	simm.s32 $0x8C00;
	v3 =	vperm.xlane v3, v2  }
0xa7: {  	[tilespmem:s29], [sflag:$0x1] =	stream.indirect_vreg.gather [hbm4b:s5+s3], $0x80, v4, vm0, $0xb8;
	[tilespmem:$0x10400] =	vst v63  }
0xa8: {  	s17 =	simm.s32 $0x9400;
	v3 =	vadd.s32 v1, v3  }
0xa9: {  	[tilespmem:s17], [sflag:$0x1] =	stream.indirect_vreg.gather [hbm4b:s6+s3], $0x80, v4, vm0, $0xb8;
	[tilespmem:$0x10400] =	vst v63  }
0xaa: {  	s18 =	simm.s32 $0x9C00  }
0xab: {  	[tilespmem:s18], [sflag:$0x1] =	stream.indirect_vreg.gather [hbm4b:s7+s3], $0x80, v4, vm0, $0xb8;
	[tilespmem:$0x10400] =	vst v63  }
0xac: {  	s21 =	simm.s32 $0xA400  }
0xad: {  	[tilespmem:s21], [sflag:$0x1] =	stream.indirect_vreg.gather [hbm4b:s1+s3], $0x80, v3, vm0, $0xb8;
	[tilespmem:$0x10400] =	vst v63  }
0xae: {  	s23 =	simm.s32 $0xAC00  }
0xaf: {  	[tilespmem:s23], [sflag:$0x1] =	stream.indirect_vreg.gather [hbm4b:s5+s3], $0x80, v3, vm0, $0xb8;
	[tilespmem:$0x10400] =	vst v63  }
0xb0: {  	s28 =	simm.s32 $0xB400  }
0xb1: {  	[tilespmem:s28], [sflag:$0x1] =	stream.indirect_vreg.gather [hbm4b:s6+s3], $0x80, v3, vm0, $0xb8;
	[tilespmem:$0x10400] =	vst v63  }
0xb2: {  	s11 =	simm.s32 $0xBC00  }
0xb3: {  	[tilespmem:s11], [sflag:$0x1] =	stream.indirect_vreg.gather [hbm4b:s7+s3], $0x80, v3, vm0, $0xb8;
	[tilespmem:$0x10400] =	vst v63  }
0xb4: {  	v3 =	vld [tilespmem:$0xB0];
	_ =	sdelay $0x4  }
0xb5: {  	v39 =	vshll.u32 v3, $0x3  }
0xb6: {  	v3 =	vand.u32 $0x7, v3;
	v4 =	vand.u32 $0xFFFFFFC0, v39  }
0xb7: {  	v3 =	vor.u32 v3, v4  }
0xb8: {  	v4 =	vperm.xlane v3, v0;
	_ =	sdelay $0x1  }
0xb9: {  	v4 =	vadd.s32 v1, v4;
	_ =	sdelay $0x3  }
0xba: {  	s12 =	simm.s32 $0xC400  }
0xbb: {  	[tilespmem:s12], [sflag:$0x1] =	stream.indirect_vreg.gather [hbm4b:s1+s3], $0x80, v4, vm0, $0xb8;
	[tilespmem:$0x10400] =	vst v63  }
0xbc: {  	s13 =	simm.s32 $0xCC00;
	v3 =	vperm.xlane v3, v2  }
0xbd: {  	[tilespmem:s13], [sflag:$0x1] =	stream.indirect_vreg.gather [hbm4b:s5+s3], $0x80, v4, vm0, $0xb8;
	[tilespmem:$0x10400] =	vst v63  }
0xbe: {  	s20 =	simm.s32 $0xD400;
	v3 =	vadd.s32 v1, v3  }
0xbf: {  	[tilespmem:s20], [sflag:$0x1] =	stream.indirect_vreg.gather [hbm4b:s6+s3], $0x80, v4, vm0, $0xb8;
	[tilespmem:$0x10400] =	vst v63  }
0xc0: {  	s16 =	simm.s32 $0xDC00  }
0xc1: {  	[tilespmem:s16], [sflag:$0x1] =	stream.indirect_vreg.gather [hbm4b:s7+s3], $0x80, v4, vm0, $0xb8;
	[tilespmem:$0x10400] =	vst v63  }
0xc2: {  	s24 =	simm.s32 $0xE400  }
0xc3: {  	[tilespmem:s24], [sflag:$0x1] =	stream.indirect_vreg.gather [hbm4b:s1+s3], $0x80, v3, vm0, $0xb8;
	[tilespmem:$0x10400] =	vst v63  }
0xc4: {  	s25 =	simm.s32 $0xEC00  }
0xc5: {  	[tilespmem:s25], [sflag:$0x1] =	stream.indirect_vreg.gather [hbm4b:s5+s3], $0x80, v3, vm0, $0xb8;
	[tilespmem:$0x10400] =	vst v63  }
0xc6: {  	s26 =	simm.s32 $0xF400  }
0xc7: {  	[tilespmem:s26], [sflag:$0x1] =	stream.indirect_vreg.gather [hbm4b:s6+s3], $0x80, v3, vm0, $0xb8;
	[tilespmem:$0x10400] =	vst v63  }
0xc8: {  	s14 =	simm.s32 $0xFC00  }
0xc9: {  	[tilespmem:s14], [sflag:$0x1] =	stream.indirect_vreg.gather [hbm4b:s7+s3], $0x80, v3, vm0, $0xb8;
	[tilespmem:$0x10400] =	vst v63  }
0xca: {  	_ =	swait.ge [sflag:s19], $0x10000  }
0xcb: {  	[sflag:s19] =	ssyncset.done $0x0  }
0xcc: {  	s26 =	rddreg [dreg:$0x5];
	[sflag:s19] =	ssyncadd.s32 $0xFFFF0000  }
0xcd: {  	[hbm4b:s26+s3] =	stream.linear.scatter [tilespmem:s10], [sflag:$0x2], $0x10000, $0x38;
	[tilespmem:$0x10400] =	vst v63  }
0xce: {  	_ =	swait.ge [sflag:s9], $0x10000  }
0xcf: {  	[sflag:s9] =	ssyncset.done $0x0  }
0xd0: {  	[sflag:s9] =	ssyncadd.s32 $0xFFFF0000  }
0xd1: {  	v3 =	vld [tilespmem:$0x100];
	_ =	sdelay $0x4  }
0xd2: {  	v40 =	vshll.u32 v3, $0x3  }
0xd3: {  	v3 =	vand.u32 $0x7, v3;
	v4 =	vand.u32 $0xFFFFFFC0, v40  }
0xd4: {  	v3 =	vor.u32 v3, v4  }
0xd5: {  	v4 =	vperm.xlane v3, v0;
	_ =	sdelay $0x1  }
0xd6: {  	v4 =	vadd.s32 v1, v4;
	_ =	sdelay $0x4  }
0xd7: {  	[tilespmem:s10], [sflag:$0x1] =	stream.indirect_vreg.gather [hbm4b:s1+s3], $0x80, v4, vm0, $0xb8;
	[tilespmem:$0x10400] =	vst v63  }
0xd8: {  	s25 =	simm.s32 $0xC00;
	v3 =	vperm.xlane v3, v2  }
0xd9: {  	[tilespmem:s25], [sflag:$0x1] =	stream.indirect_vreg.gather [hbm4b:s5+s3], $0x80, v4, vm0, $0xb8;
	[tilespmem:$0x10400] =	vst v63  }
0xda: {  	s26 =	simm.s32 $0x1400;
	v3 =	vadd.s32 v1, v3  }
0xdb: {  	[tilespmem:s26], [sflag:$0x1] =	stream.indirect_vreg.gather [hbm4b:s6+s3], $0x80, v4, vm0, $0xb8;
	[tilespmem:$0x10400] =	vst v63  }
0xdc: {  	s25 =	simm.s32 $0x1C00  }
0xdd: {  	[tilespmem:s25], [sflag:$0x1] =	stream.indirect_vreg.gather [hbm4b:s7+s3], $0x80, v4, vm0, $0xb8;
	[tilespmem:$0x10400] =	vst v63  }
0xde: {  	s26 =	simm.s32 $0x2400  }
0xdf: {  	[tilespmem:s26], [sflag:$0x1] =	stream.indirect_vreg.gather [hbm4b:s1+s3], $0x80, v3, vm0, $0xb8;
	[tilespmem:$0x10400] =	vst v63  }
0xe0: {  	s25 =	simm.s32 $0x2C00  }
0xe1: {  	[tilespmem:s25], [sflag:$0x1] =	stream.indirect_vreg.gather [hbm4b:s5+s3], $0x80, v3, vm0, $0xb8;
	[tilespmem:$0x10400] =	vst v63  }
0xe2: {  	s26 =	simm.s32 $0x3400  }
0xe3: {  	[tilespmem:s26], [sflag:$0x1] =	stream.indirect_vreg.gather [hbm4b:s6+s3], $0x80, v3, vm0, $0xb8;
	[tilespmem:$0x10400] =	vst v63  }
0xe4: {  	s25 =	simm.s32 $0x3C00  }
0xe5: {  	[tilespmem:s25], [sflag:$0x1] =	stream.indirect_vreg.gather [hbm4b:s7+s3], $0x80, v3, vm0, $0xb8;
	[tilespmem:$0x10400] =	vst v63  }
0xe6: {  	v3 =	vld [tilespmem:$0x110];
	_ =	sdelay $0x4  }
0xe7: {  	v41 =	vshll.u32 v3, $0x3  }
0xe8: {  	v3 =	vand.u32 $0x7, v3;
	v4 =	vand.u32 $0xFFFFFFC0, v41  }
0xe9: {  	v3 =	vor.u32 v3, v4  }
0xea: {  	v4 =	vperm.xlane v3, v0;
	_ =	sdelay $0x1  }
0xeb: {  	v4 =	vadd.s32 v1, v4;
	_ =	sdelay $0x4  }
0xec: {  	[tilespmem:s30], [sflag:$0x1] =	stream.indirect_vreg.gather [hbm4b:s1+s3], $0x80, v4, vm0, $0xb8;
	[tilespmem:$0x10400] =	vst v63  }
0xed: {  	s26 =	simm.s32 $0x4C00;
	v3 =	vperm.xlane v3, v2  }
0xee: {  	[tilespmem:s26], [sflag:$0x1] =	stream.indirect_vreg.gather [hbm4b:s5+s3], $0x80, v4, vm0, $0xb8;
	[tilespmem:$0x10400] =	vst v63  }
0xef: {  	v3 =	vadd.s32 v1, v3  }
0xf0: {  	[tilespmem:s31], [sflag:$0x1] =	stream.indirect_vreg.gather [hbm4b:s6+s3], $0x80, v4, vm0, $0xb8;
	[tilespmem:$0x10400] =	vst v63  }
0xf1: {  	_ = 	snop  }
0xf2: {  	[tilespmem:s2], [sflag:$0x1] =	stream.indirect_vreg.gather [hbm4b:s7+s3], $0x80, v4, vm0, $0xb8;
	[tilespmem:$0x10400] =	vst v63  }
0xf3: {  	_ = 	snop  }
0xf4: {  	[tilespmem:s0], [sflag:$0x1] =	stream.indirect_vreg.gather [hbm4b:s1+s3], $0x80, v3, vm0, $0xb8;
	[tilespmem:$0x10400] =	vst v63  }
0xf5: {  	_ = 	snop  }
0xf6: {  	[tilespmem:s4], [sflag:$0x1] =	stream.indirect_vreg.gather [hbm4b:s5+s3], $0x80, v3, vm0, $0xb8;
	[tilespmem:$0x10400] =	vst v63  }
0xf7: {  	_ = 	snop  }
0xf8: {  	[tilespmem:s8], [sflag:$0x1] =	stream.indirect_vreg.gather [hbm4b:s6+s3], $0x80, v3, vm0, $0xb8;
	[tilespmem:$0x10400] =	vst v63  }
0xf9: {  	s20 =	simm.s32 $0x7C00  }
0xfa: {  	[tilespmem:s20], [sflag:$0x1] =	stream.indirect_vreg.gather [hbm4b:s7+s3], $0x80, v3, vm0, $0xb8;
	[tilespmem:$0x10400] =	vst v63  }
0xfb: {  	v3 =	vld [tilespmem:$0x120];
	_ =	sdelay $0x4  }
0xfc: {  	v42 =	vshll.u32 v3, $0x3  }
0xfd: {  	v3 =	vand.u32 $0x7, v3;
	v4 =	vand.u32 $0xFFFFFFC0, v42  }
0xfe: {  	v3 =	vor.u32 v3, v4  }
0xff: {  	v4 =	vperm.xlane v3, v0;
	_ =	sdelay $0x1  }
0x100: {  	v4 =	vadd.s32 v1, v4;
	_ =	sdelay $0x4  }
0x101: {  	[tilespmem:s22], [sflag:$0x1] =	stream.indirect_vreg.gather [hbm4b:s1+s3], $0x80, v4, vm0, $0xb8;
	[tilespmem:$0x10400] =	vst v63  }
0x102: {  	v3 =	vperm.xlane v3, v2  }
0x103: {  	[tilespmem:s29], [sflag:$0x1] =	stream.indirect_vreg.gather [hbm4b:s5+s3], $0x80, v4, vm0, $0xb8;
	[tilespmem:$0x10400] =	vst v63  }
0x104: {  	v3 =	vadd.s32 v1, v3  }
0x105: {  	[tilespmem:s17], [sflag:$0x1] =	stream.indirect_vreg.gather [hbm4b:s6+s3], $0x80, v4, vm0, $0xb8;
	[tilespmem:$0x10400] =	vst v63  }
0x106: {  	_ = 	snop  }
0x107: {  	[tilespmem:s18], [sflag:$0x1] =	stream.indirect_vreg.gather [hbm4b:s7+s3], $0x80, v4, vm0, $0xb8;
	[tilespmem:$0x10400] =	vst v63  }
0x108: {  	_ = 	snop  }
0x109: {  	[tilespmem:s21], [sflag:$0x1] =	stream.indirect_vreg.gather [hbm4b:s1+s3], $0x80, v3, vm0, $0xb8;
	[tilespmem:$0x10400] =	vst v63  }
0x10a: {  	s21 =	simm.s32 $0xAC00  }
0x10b: {  	[tilespmem:s21], [sflag:$0x1] =	stream.indirect_vreg.gather [hbm4b:s5+s3], $0x80, v3, vm0, $0xb8;
	[tilespmem:$0x10400] =	vst v63  }
0x10c: {  	s23 =	simm.s32 $0xB400  }
0x10d: {  	[tilespmem:s23], [sflag:$0x1] =	stream.indirect_vreg.gather [hbm4b:s6+s3], $0x80, v3, vm0, $0xb8;
	[tilespmem:$0x10400] =	vst v63  }
0x10e: {  	s28 =	simm.s32 $0xBC00  }
0x10f: {  	[tilespmem:s28], [sflag:$0x1] =	stream.indirect_vreg.gather [hbm4b:s7+s3], $0x80, v3, vm0, $0xb8;
	[tilespmem:$0x10400] =	vst v63  }
0x110: {  	v3 =	vld [tilespmem:$0x130];
	_ =	sdelay $0x4  }
0x111: {  	v43 =	vshll.u32 v3, $0x3  }
0x112: {  	v3 =	vand.u32 $0x7, v3;
	v4 =	vand.u32 $0xFFFFFFC0, v43  }
0x113: {  	v3 =	vor.u32 v3, v4  }
0x114: {  	v4 =	vperm.xlane v3, v0;
	_ =	sdelay $0x1  }
0x115: {  	v4 =	vadd.s32 v1, v4;
	_ =	sdelay $0x3  }
0x116: {  	s28 =	simm.s32 $0xC400  }
0x117: {  	[tilespmem:s28], [sflag:$0x1] =	stream.indirect_vreg.gather [hbm4b:s1+s3], $0x80, v4, vm0, $0xb8;
	[tilespmem:$0x10400] =	vst v63  }
0x118: {  	s21 =	simm.s32 $0xCC00;
	v3 =	vperm.xlane v3, v2  }
0x119: {  	[tilespmem:s21], [sflag:$0x1] =	stream.indirect_vreg.gather [hbm4b:s5+s3], $0x80, v4, vm0, $0xb8;
	[tilespmem:$0x10400] =	vst v63  }
0x11a: {  	s11 =	simm.s32 $0xD400;
	v3 =	vadd.s32 v1, v3  }
0x11b: {  	[tilespmem:s11], [sflag:$0x1] =	stream.indirect_vreg.gather [hbm4b:s6+s3], $0x80, v4, vm0, $0xb8;
	[tilespmem:$0x10400] =	vst v63  }
0x11c: {  	s12 =	simm.s32 $0xDC00  }
0x11d: {  	[tilespmem:s12], [sflag:$0x1] =	stream.indirect_vreg.gather [hbm4b:s7+s3], $0x80, v4, vm0, $0xb8;
	[tilespmem:$0x10400] =	vst v63  }
0x11e: {  	s13 =	simm.s32 $0xE400  }
0x11f: {  	[tilespmem:s13], [sflag:$0x1] =	stream.indirect_vreg.gather [hbm4b:s1+s3], $0x80, v3, vm0, $0xb8;
	[tilespmem:$0x10400] =	vst v63  }
0x120: {  	s16 =	simm.s32 $0xEC00  }
0x121: {  	[tilespmem:s16], [sflag:$0x1] =	stream.indirect_vreg.gather [hbm4b:s5+s3], $0x80, v3, vm0, $0xb8;
	[tilespmem:$0x10400] =	vst v63  }
0x122: {  	s24 =	simm.s32 $0xF400  }
0x123: {  	[tilespmem:s24], [sflag:$0x1] =	stream.indirect_vreg.gather [hbm4b:s6+s3], $0x80, v3, vm0, $0xb8;
	[tilespmem:$0x10400] =	vst v63  }
0x124: {  	s14 =	simm.s32 $0xFC00  }
0x125: {  	[tilespmem:s14], [sflag:$0x1] =	stream.indirect_vreg.gather [hbm4b:s7+s3], $0x80, v3, vm0, $0xb8;
	[tilespmem:$0x10400] =	vst v63  }
0x126: {  	_ =	swait.ge [sflag:s19], $0x10000  }
0x127: {  	[sflag:s19] =	ssyncset.done $0x0  }
0x128: {  	s24 =	rddreg [dreg:$0x6];
	[sflag:s19] =	ssyncadd.s32 $0xFFFF0000  }
0x129: {  	[hbm4b:s24+s3] =	stream.linear.scatter [tilespmem:s10], [sflag:$0x2], $0x10000, $0x38;
	[tilespmem:$0x10400] =	vst v63  }
0x12a: {  	_ =	swait.ge [sflag:s9], $0x10000  }
0x12b: {  	[sflag:s9] =	ssyncset.done $0x0  }
0x12c: {  	[sflag:s9] =	ssyncadd.s32 $0xFFFF0000  }
0x12d: {  	v3 =	vld [tilespmem:$0x180];
	_ =	sdelay $0x4  }
0x12e: {  	v44 =	vshll.u32 v3, $0x3  }
0x12f: {  	v3 =	vand.u32 $0x7, v3;
	v4 =	vand.u32 $0xFFFFFFC0, v44  }
0x130: {  	v3 =	vor.u32 v3, v4  }
0x131: {  	v4 =	vperm.xlane v3, v0;
	_ =	sdelay $0x1  }
0x132: {  	v4 =	vadd.s32 v1, v4;
	_ =	sdelay $0x4  }
0x133: {  	[tilespmem:s10], [sflag:$0x1] =	stream.indirect_vreg.gather [hbm4b:s1+s3], $0x80, v4, vm0, $0xb8;
	[tilespmem:$0x10400] =	vst v63  }
0x134: {  	s24 =	simm.s32 $0xC00;
	v3 =	vperm.xlane v3, v2  }
0x135: {  	[tilespmem:s24], [sflag:$0x1] =	stream.indirect_vreg.gather [hbm4b:s5+s3], $0x80, v4, vm0, $0xb8;
	[tilespmem:$0x10400] =	vst v63  }
0x136: {  	v3 =	vadd.s32 v1, v3;
	s24 =	simm.s32 $0x1400  }
0x137: {  	[tilespmem:s24], [sflag:$0x1] =	stream.indirect_vreg.gather [hbm4b:s6+s3], $0x80, v4, vm0, $0xb8;
	[tilespmem:$0x10400] =	vst v63  }
0x138: {  	s24 =	simm.s32 $0x1C00  }
0x139: {  	[tilespmem:s24], [sflag:$0x1] =	stream.indirect_vreg.gather [hbm4b:s7+s3], $0x80, v4, vm0, $0xb8;
	[tilespmem:$0x10400] =	vst v63  }
0x13a: {  	s24 =	simm.s32 $0x2400  }
0x13b: {  	[tilespmem:s24], [sflag:$0x1] =	stream.indirect_vreg.gather [hbm4b:s1+s3], $0x80, v3, vm0, $0xb8;
	[tilespmem:$0x10400] =	vst v63  }
0x13c: {  	s24 =	simm.s32 $0x2C00  }
0x13d: {  	[tilespmem:s24], [sflag:$0x1] =	stream.indirect_vreg.gather [hbm4b:s5+s3], $0x80, v3, vm0, $0xb8;
	[tilespmem:$0x10400] =	vst v63  }
0x13e: {  	s24 =	simm.s32 $0x3400  }
0x13f: {  	[tilespmem:s24], [sflag:$0x1] =	stream.indirect_vreg.gather [hbm4b:s6+s3], $0x80, v3, vm0, $0xb8;
	[tilespmem:$0x10400] =	vst v63  }
0x140: {  	s24 =	simm.s32 $0x3C00  }
0x141: {  	[tilespmem:s24], [sflag:$0x1] =	stream.indirect_vreg.gather [hbm4b:s7+s3], $0x80, v3, vm0, $0xb8;
	[tilespmem:$0x10400] =	vst v63  }
0x142: {  	v3 =	vld [tilespmem:$0x190];
	_ =	sdelay $0x4  }
0x143: {  	v45 =	vshll.u32 v3, $0x3  }
0x144: {  	v3 =	vand.u32 $0x7, v3;
	v4 =	vand.u32 $0xFFFFFFC0, v45  }
0x145: {  	v3 =	vor.u32 v3, v4  }
0x146: {  	v4 =	vperm.xlane v3, v0;
	_ =	sdelay $0x1  }
0x147: {  	v4 =	vadd.s32 v1, v4;
	_ =	sdelay $0x3  }
0x148: {  	s30 =	simm.s32 $0x4400  }
0x149: {  	[tilespmem:s30], [sflag:$0x1] =	stream.indirect_vreg.gather [hbm4b:s1+s3], $0x80, v4, vm0, $0xb8;
	[tilespmem:$0x10400] =	vst v63  }
0x14a: {  	s24 =	simm.s32 $0x4C00;
	v3 =	vperm.xlane v3, v2  }
0x14b: {  	[tilespmem:s24], [sflag:$0x1] =	stream.indirect_vreg.gather [hbm4b:s5+s3], $0x80, v4, vm0, $0xb8;
	[tilespmem:$0x10400] =	vst v63  }
0x14c: {  	v3 =	vadd.s32 v1, v3;
	s24 =	simm.s32 $0x5400  }
0x14d: {  	[tilespmem:s24], [sflag:$0x1] =	stream.indirect_vreg.gather [hbm4b:s6+s3], $0x80, v4, vm0, $0xb8;
	[tilespmem:$0x10400] =	vst v63  }
0x14e: {  	s2 =	simm.s32 $0x5C00  }
0x14f: {  	[tilespmem:s2], [sflag:$0x1] =	stream.indirect_vreg.gather [hbm4b:s7+s3], $0x80, v4, vm0, $0xb8;
	[tilespmem:$0x10400] =	vst v63  }
0x150: {  	s31 =	simm.s32 $0x6400  }
0x151: {  	[tilespmem:s31], [sflag:$0x1] =	stream.indirect_vreg.gather [hbm4b:s1+s3], $0x80, v3, vm0, $0xb8;
	[tilespmem:$0x10400] =	vst v63  }
0x152: {  	s4 =	simm.s32 $0x6C00  }
0x153: {  	[tilespmem:s4], [sflag:$0x1] =	stream.indirect_vreg.gather [hbm4b:s5+s3], $0x80, v3, vm0, $0xb8;
	[tilespmem:$0x10400] =	vst v63  }
0x154: {  	s0 =	simm.s32 $0x7400  }
0x155: {  	[tilespmem:s0], [sflag:$0x1] =	stream.indirect_vreg.gather [hbm4b:s6+s3], $0x80, v3, vm0, $0xb8;
	[tilespmem:$0x10400] =	vst v63  }
0x156: {  	s20 =	simm.s32 $0x7C00  }
0x157: {  	[tilespmem:s20], [sflag:$0x1] =	stream.indirect_vreg.gather [hbm4b:s7+s3], $0x80, v3, vm0, $0xb8;
	[tilespmem:$0x10400] =	vst v63  }
0x158: {  	v3 =	vld [tilespmem:$0x1A0];
	_ =	sdelay $0x4  }
0x159: {  	v46 =	vshll.u32 v3, $0x3  }
0x15a: {  	v3 =	vand.u32 $0x7, v3;
	v4 =	vand.u32 $0xFFFFFFC0, v46  }
0x15b: {  	v3 =	vor.u32 v3, v4  }
0x15c: {  	v4 =	vperm.xlane v3, v0;
	_ =	sdelay $0x1  }
0x15d: {  	v4 =	vadd.s32 v1, v4;
	_ =	sdelay $0x3  }
0x15e: {  	s26 =	simm.s32 $0x8400  }
0x15f: {  	[tilespmem:s26], [sflag:$0x1] =	stream.indirect_vreg.gather [hbm4b:s1+s3], $0x80, v4, vm0, $0xb8;
	[tilespmem:$0x10400] =	vst v63  }
0x160: {  	s25 =	simm.s32 $0x8C00;
	v3 =	vperm.xlane v3, v2  }
0x161: {  	[tilespmem:s25], [sflag:$0x1] =	stream.indirect_vreg.gather [hbm4b:s5+s3], $0x80, v4, vm0, $0xb8;
	[tilespmem:$0x10400] =	vst v63  }
0x162: {  	s8 =	simm.s32 $0x9400;
	v3 =	vadd.s32 v1, v3  }
0x163: {  	[tilespmem:s8], [sflag:$0x1] =	stream.indirect_vreg.gather [hbm4b:s6+s3], $0x80, v4, vm0, $0xb8;
	[tilespmem:$0x10400] =	vst v63  }
0x164: {  	s17 =	simm.s32 $0x9C00  }
0x165: {  	[tilespmem:s17], [sflag:$0x1] =	stream.indirect_vreg.gather [hbm4b:s7+s3], $0x80, v4, vm0, $0xb8;
	[tilespmem:$0x10400] =	vst v63  }
0x166: {  	s22 =	simm.s32 $0xA400  }
0x167: {  	[tilespmem:s22], [sflag:$0x1] =	stream.indirect_vreg.gather [hbm4b:s1+s3], $0x80, v3, vm0, $0xb8;
	[tilespmem:$0x10400] =	vst v63  }
0x168: {  	s29 =	simm.s32 $0xAC00  }
0x169: {  	[tilespmem:s29], [sflag:$0x1] =	stream.indirect_vreg.gather [hbm4b:s5+s3], $0x80, v3, vm0, $0xb8;
	[tilespmem:$0x10400] =	vst v63  }
0x16a: {  	s18 =	simm.s32 $0xB400  }
0x16b: {  	[tilespmem:s18], [sflag:$0x1] =	stream.indirect_vreg.gather [hbm4b:s6+s3], $0x80, v3, vm0, $0xb8;
	[tilespmem:$0x10400] =	vst v63  }
0x16c: {  	s23 =	simm.s32 $0xBC00  }
0x16d: {  	[tilespmem:s23], [sflag:$0x1] =	stream.indirect_vreg.gather [hbm4b:s7+s3], $0x80, v3, vm0, $0xb8;
	[tilespmem:$0x10400] =	vst v63  }
0x16e: {  	v3 =	vld [tilespmem:$0x1B0];
	_ =	sdelay $0x4  }
0x16f: {  	v47 =	vshll.u32 v3, $0x3  }
0x170: {  	v3 =	vand.u32 $0x7, v3;
	v4 =	vand.u32 $0xFFFFFFC0, v47  }
0x171: {  	v3 =	vor.u32 v3, v4  }
0x172: {  	v4 =	vperm.xlane v3, v0;
	_ =	sdelay $0x1  }
0x173: {  	v4 =	vadd.s32 v1, v4;
	_ =	sdelay $0x3  }
0x174: {  	s28 =	simm.s32 $0xC400  }
0x175: {  	[tilespmem:s28], [sflag:$0x1] =	stream.indirect_vreg.gather [hbm4b:s1+s3], $0x80, v4, vm0, $0xb8;
	[tilespmem:$0x10400] =	vst v63  }
0x176: {  	s20 =	simm.s32 $0xCC00;
	v3 =	vperm.xlane v3, v2  }
0x177: {  	[tilespmem:s20], [sflag:$0x1] =	stream.indirect_vreg.gather [hbm4b:s5+s3], $0x80, v4, vm0, $0xb8;
	[tilespmem:$0x10400] =	vst v63  }
0x178: {  	s11 =	simm.s32 $0xD400;
	v3 =	vadd.s32 v1, v3  }
0x179: {  	[tilespmem:s11], [sflag:$0x1] =	stream.indirect_vreg.gather [hbm4b:s6+s3], $0x80, v4, vm0, $0xb8;
	[tilespmem:$0x10400] =	vst v63  }
0x17a: {  	s12 =	simm.s32 $0xDC00  }
0x17b: {  	[tilespmem:s12], [sflag:$0x1] =	stream.indirect_vreg.gather [hbm4b:s7+s3], $0x80, v4, vm0, $0xb8;
	[tilespmem:$0x10400] =	vst v63  }
0x17c: {  	s13 =	simm.s32 $0xE400  }
0x17d: {  	[tilespmem:s13], [sflag:$0x1] =	stream.indirect_vreg.gather [hbm4b:s1+s3], $0x80, v3, vm0, $0xb8;
	[tilespmem:$0x10400] =	vst v63  }
0x17e: {  	s16 =	simm.s32 $0xEC00  }
0x17f: {  	[tilespmem:s16], [sflag:$0x1] =	stream.indirect_vreg.gather [hbm4b:s5+s3], $0x80, v3, vm0, $0xb8;
	[tilespmem:$0x10400] =	vst v63  }
0x180: {  	s21 =	simm.s32 $0xF400  }
0x181: {  	[tilespmem:s21], [sflag:$0x1] =	stream.indirect_vreg.gather [hbm4b:s6+s3], $0x80, v3, vm0, $0xb8;
	[tilespmem:$0x10400] =	vst v63  }
0x182: {  	s14 =	simm.s32 $0xFC00  }
0x183: {  	[tilespmem:s14], [sflag:$0x1] =	stream.indirect_vreg.gather [hbm4b:s7+s3], $0x80, v3, vm0, $0xb8;
	[tilespmem:$0x10400] =	vst v63  }
0x184: {  	_ =	swait.ge [sflag:s19], $0x10000  }
0x185: {  	[sflag:s19] =	ssyncset.done $0x0  }
0x186: {  	s21 =	rddreg [dreg:$0x7];
	[sflag:s19] =	ssyncadd.s32 $0xFFFF0000  }
0x187: {  	[hbm4b:s21+s3] =	stream.linear.scatter [tilespmem:s10], [sflag:$0x2], $0x10000, $0x38;
	[tilespmem:$0x10400] =	vst v63  }
0x188: {  	_ =	swait.ge [sflag:s9], $0x10000  }
0x189: {  	[sflag:s9] =	ssyncset.done $0x0  }
0x18a: {  	[sflag:s9] =	ssyncadd.s32 $0xFFFF0000  }
0x18b: {  	v3 =	vld [tilespmem:$0x200];
	_ =	sdelay $0x4  }
0x18c: {  	v48 =	vshll.u32 v3, $0x3  }
0x18d: {  	v3 =	vand.u32 $0x7, v3;
	v4 =	vand.u32 $0xFFFFFFC0, v48  }
0x18e: {  	v3 =	vor.u32 v3, v4  }
0x18f: {  	v4 =	vperm.xlane v3, v0;
	_ =	sdelay $0x1  }
0x190: {  	v4 =	vadd.s32 v1, v4;
	_ =	sdelay $0x4  }
0x191: {  	[tilespmem:s10], [sflag:$0x1] =	stream.indirect_vreg.gather [hbm4b:s1+s3], $0x80, v4, vm0, $0xb8;
	[tilespmem:$0x10400] =	vst v63  }
0x192: {  	s21 =	simm.s32 $0xC00;
	v3 =	vperm.xlane v3, v2  }
0x193: {  	[tilespmem:s21], [sflag:$0x1] =	stream.indirect_vreg.gather [hbm4b:s5+s3], $0x80, v4, vm0, $0xb8;
	[tilespmem:$0x10400] =	vst v63  }
0x194: {  	v3 =	vadd.s32 v1, v3;
	s21 =	simm.s32 $0x1400  }
0x195: {  	[tilespmem:s21], [sflag:$0x1] =	stream.indirect_vreg.gather [hbm4b:s6+s3], $0x80, v4, vm0, $0xb8;
	[tilespmem:$0x10400] =	vst v63  }
0x196: {  	s21 =	simm.s32 $0x1C00  }
0x197: {  	[tilespmem:s21], [sflag:$0x1] =	stream.indirect_vreg.gather [hbm4b:s7+s3], $0x80, v4, vm0, $0xb8;
	[tilespmem:$0x10400] =	vst v63  }
0x198: {  	s21 =	simm.s32 $0x2400  }
0x199: {  	[tilespmem:s21], [sflag:$0x1] =	stream.indirect_vreg.gather [hbm4b:s1+s3], $0x80, v3, vm0, $0xb8;
	[tilespmem:$0x10400] =	vst v63  }
0x19a: {  	s21 =	simm.s32 $0x2C00  }
0x19b: {  	[tilespmem:s21], [sflag:$0x1] =	stream.indirect_vreg.gather [hbm4b:s5+s3], $0x80, v3, vm0, $0xb8;
	[tilespmem:$0x10400] =	vst v63  }
0x19c: {  	s21 =	simm.s32 $0x3400  }
0x19d: {  	[tilespmem:s21], [sflag:$0x1] =	stream.indirect_vreg.gather [hbm4b:s6+s3], $0x80, v3, vm0, $0xb8;
	[tilespmem:$0x10400] =	vst v63  }
0x19e: {  	s21 =	simm.s32 $0x3C00  }
0x19f: {  	[tilespmem:s21], [sflag:$0x1] =	stream.indirect_vreg.gather [hbm4b:s7+s3], $0x80, v3, vm0, $0xb8;
	[tilespmem:$0x10400] =	vst v63  }
0x1a0: {  	v3 =	vld [tilespmem:$0x210];
	_ =	sdelay $0x4  }
0x1a1: {  	v49 =	vshll.u32 v3, $0x3  }
0x1a2: {  	v3 =	vand.u32 $0x7, v3;
	v4 =	vand.u32 $0xFFFFFFC0, v49  }
0x1a3: {  	v3 =	vor.u32 v3, v4  }
0x1a4: {  	v4 =	vperm.xlane v3, v0;
	_ =	sdelay $0x1  }
0x1a5: {  	v4 =	vadd.s32 v1, v4;
	_ =	sdelay $0x3  }
0x1a6: {  	s30 =	simm.s32 $0x4400  }
0x1a7: {  	[tilespmem:s30], [sflag:$0x1] =	stream.indirect_vreg.gather [hbm4b:s1+s3], $0x80, v4, vm0, $0xb8;
	[tilespmem:$0x10400] =	vst v63  }
0x1a8: {  	v3 =	vperm.xlane v3, v2;
	s30 =	simm.s32 $0x4C00  }
0x1a9: {  	[tilespmem:s30], [sflag:$0x1] =	stream.indirect_vreg.gather [hbm4b:s5+s3], $0x80, v4, vm0, $0xb8;
	[tilespmem:$0x10400] =	vst v63  }
0x1aa: {  	s21 =	simm.s32 $0x5400;
	v3 =	vadd.s32 v1, v3  }
0x1ab: {  	[tilespmem:s21], [sflag:$0x1] =	stream.indirect_vreg.gather [hbm4b:s6+s3], $0x80, v4, vm0, $0xb8;
	[tilespmem:$0x10400] =	vst v63  }
0x1ac: {  	s2 =	simm.s32 $0x5C00  }
0x1ad: {  	[tilespmem:s2], [sflag:$0x1] =	stream.indirect_vreg.gather [hbm4b:s7+s3], $0x80, v4, vm0, $0xb8;
	[tilespmem:$0x10400] =	vst v63  }
0x1ae: {  	s31 =	simm.s32 $0x6400  }
0x1af: {  	[tilespmem:s31], [sflag:$0x1] =	stream.indirect_vreg.gather [hbm4b:s1+s3], $0x80, v3, vm0, $0xb8;
	[tilespmem:$0x10400] =	vst v63  }
0x1b0: {  	s24 =	simm.s32 $0x6C00  }
0x1b1: {  	[tilespmem:s24], [sflag:$0x1] =	stream.indirect_vreg.gather [hbm4b:s5+s3], $0x80, v3, vm0, $0xb8;
	[tilespmem:$0x10400] =	vst v63  }
0x1b2: {  	s0 =	simm.s32 $0x7400  }
0x1b3: {  	[tilespmem:s0], [sflag:$0x1] =	stream.indirect_vreg.gather [hbm4b:s6+s3], $0x80, v3, vm0, $0xb8;
	[tilespmem:$0x10400] =	vst v63  }
0x1b4: {  	s24 =	simm.s32 $0x7C00  }
0x1b5: {  	[tilespmem:s24], [sflag:$0x1] =	stream.indirect_vreg.gather [hbm4b:s7+s3], $0x80, v3, vm0, $0xb8;
	[tilespmem:$0x10400] =	vst v63  }
0x1b6: {  	v3 =	vld [tilespmem:$0x220];
	_ =	sdelay $0x4  }
0x1b7: {  	v50 =	vshll.u32 v3, $0x3  }
0x1b8: {  	v3 =	vand.u32 $0x7, v3;
	v4 =	vand.u32 $0xFFFFFFC0, v50  }
0x1b9: {  	v3 =	vor.u32 v3, v4  }
0x1ba: {  	v4 =	vperm.xlane v3, v0;
	_ =	sdelay $0x1  }
0x1bb: {  	v4 =	vadd.s32 v1, v4;
	_ =	sdelay $0x3  }
0x1bc: {  	s26 =	simm.s32 $0x8400  }
0x1bd: {  	[tilespmem:s26], [sflag:$0x1] =	stream.indirect_vreg.gather [hbm4b:s1+s3], $0x80, v4, vm0, $0xb8;
	[tilespmem:$0x10400] =	vst v63  }
0x1be: {  	s25 =	simm.s32 $0x8C00;
	v3 =	vperm.xlane v3, v2  }
0x1bf: {  	[tilespmem:s25], [sflag:$0x1] =	stream.indirect_vreg.gather [hbm4b:s5+s3], $0x80, v4, vm0, $0xb8;
	[tilespmem:$0x10400] =	vst v63  }
0x1c0: {  	s4 =	simm.s32 $0x9400;
	v3 =	vadd.s32 v1, v3  }
0x1c1: {  	[tilespmem:s4], [sflag:$0x1] =	stream.indirect_vreg.gather [hbm4b:s6+s3], $0x80, v4, vm0, $0xb8;
	[tilespmem:$0x10400] =	vst v63  }
0x1c2: {  	s8 =	simm.s32 $0x9C00  }
0x1c3: {  	[tilespmem:s8], [sflag:$0x1] =	stream.indirect_vreg.gather [hbm4b:s7+s3], $0x80, v4, vm0, $0xb8;
	[tilespmem:$0x10400] =	vst v63  }
0x1c4: {  	s24 =	simm.s32 $0xA400  }
0x1c5: {  	[tilespmem:s24], [sflag:$0x1] =	stream.indirect_vreg.gather [hbm4b:s1+s3], $0x80, v3, vm0, $0xb8;
	[tilespmem:$0x10400] =	vst v63  }
0x1c6: {  	s22 =	simm.s32 $0xAC00  }
0x1c7: {  	[tilespmem:s22], [sflag:$0x1] =	stream.indirect_vreg.gather [hbm4b:s5+s3], $0x80, v3, vm0, $0xb8;
	[tilespmem:$0x10400] =	vst v63  }
0x1c8: {  	s17 =	simm.s32 $0xB400  }
0x1c9: {  	[tilespmem:s17], [sflag:$0x1] =	stream.indirect_vreg.gather [hbm4b:s6+s3], $0x80, v3, vm0, $0xb8;
	[tilespmem:$0x10400] =	vst v63  }
0x1ca: {  	s23 =	simm.s32 $0xBC00  }
0x1cb: {  	[tilespmem:s23], [sflag:$0x1] =	stream.indirect_vreg.gather [hbm4b:s7+s3], $0x80, v3, vm0, $0xb8;
	[tilespmem:$0x10400] =	vst v63  }
0x1cc: {  	v3 =	vld [tilespmem:$0x230];
	_ =	sdelay $0x4  }
0x1cd: {  	v51 =	vshll.u32 v3, $0x3  }
0x1ce: {  	v3 =	vand.u32 $0x7, v3;
	v4 =	vand.u32 $0xFFFFFFC0, v51  }
0x1cf: {  	v3 =	vor.u32 v3, v4  }
0x1d0: {  	v4 =	vperm.xlane v3, v0;
	_ =	sdelay $0x1  }
0x1d1: {  	v4 =	vadd.s32 v1, v4;
	_ =	sdelay $0x3  }
0x1d2: {  	s28 =	simm.s32 $0xC400  }
0x1d3: {  	[tilespmem:s28], [sflag:$0x1] =	stream.indirect_vreg.gather [hbm4b:s1+s3], $0x80, v4, vm0, $0xb8;
	[tilespmem:$0x10400] =	vst v63  }
0x1d4: {  	s29 =	simm.s32 $0xCC00;
	v3 =	vperm.xlane v3, v2  }
0x1d5: {  	[tilespmem:s29], [sflag:$0x1] =	stream.indirect_vreg.gather [hbm4b:s5+s3], $0x80, v4, vm0, $0xb8;
	[tilespmem:$0x10400] =	vst v63  }
0x1d6: {  	s18 =	simm.s32 $0xD400;
	v3 =	vadd.s32 v1, v3  }
0x1d7: {  	[tilespmem:s18], [sflag:$0x1] =	stream.indirect_vreg.gather [hbm4b:s6+s3], $0x80, v4, vm0, $0xb8;
	[tilespmem:$0x10400] =	vst v63  }
0x1d8: {  	s11 =	simm.s32 $0xDC00  }
0x1d9: {  	[tilespmem:s11], [sflag:$0x1] =	stream.indirect_vreg.gather [hbm4b:s7+s3], $0x80, v4, vm0, $0xb8;
	[tilespmem:$0x10400] =	vst v63  }
0x1da: {  	s12 =	simm.s32 $0xE400  }
0x1db: {  	[tilespmem:s12], [sflag:$0x1] =	stream.indirect_vreg.gather [hbm4b:s1+s3], $0x80, v3, vm0, $0xb8;
	[tilespmem:$0x10400] =	vst v63  }
0x1dc: {  	s13 =	simm.s32 $0xEC00  }
0x1dd: {  	[tilespmem:s13], [sflag:$0x1] =	stream.indirect_vreg.gather [hbm4b:s5+s3], $0x80, v3, vm0, $0xb8;
	[tilespmem:$0x10400] =	vst v63  }
0x1de: {  	s16 =	simm.s32 $0xF400  }
0x1df: {  	[tilespmem:s16], [sflag:$0x1] =	stream.indirect_vreg.gather [hbm4b:s6+s3], $0x80, v3, vm0, $0xb8;
	[tilespmem:$0x10400] =	vst v63  }
0x1e0: {  	s14 =	simm.s32 $0xFC00  }
0x1e1: {  	[tilespmem:s14], [sflag:$0x1] =	stream.indirect_vreg.gather [hbm4b:s7+s3], $0x80, v3, vm0, $0xb8;
	[tilespmem:$0x10400] =	vst v63  }
0x1e2: {  	_ =	swait.ge [sflag:s19], $0x10000  }
0x1e3: {  	[sflag:s19] =	ssyncset.done $0x0  }
0x1e4: {  	s16 =	rddreg [dreg:$0x8];
	[sflag:s19] =	ssyncadd.s32 $0xFFFF0000  }
0x1e5: {  	[hbm4b:s16+s3] =	stream.linear.scatter [tilespmem:s10], [sflag:$0x2], $0x10000, $0x38;
	[tilespmem:$0x10400] =	vst v63  }
0x1e6: {  	_ =	swait.ge [sflag:s9], $0x10000  }
0x1e7: {  	[sflag:s9] =	ssyncset.done $0x0  }
0x1e8: {  	[sflag:s9] =	ssyncadd.s32 $0xFFFF0000  }
0x1e9: {  	v3 =	vld [tilespmem:$0x280];
	_ =	sdelay $0x4  }
0x1ea: {  	v52 =	vshll.u32 v3, $0x3  }
0x1eb: {  	v3 =	vand.u32 $0x7, v3;
	v4 =	vand.u32 $0xFFFFFFC0, v52  }
0x1ec: {  	v3 =	vor.u32 v3, v4  }
0x1ed: {  	v4 =	vperm.xlane v3, v0;
	_ =	sdelay $0x1  }
0x1ee: {  	v4 =	vadd.s32 v1, v4;
	_ =	sdelay $0x4  }
0x1ef: {  	[tilespmem:s10], [sflag:$0x1] =	stream.indirect_vreg.gather [hbm4b:s1+s3], $0x80, v4, vm0, $0xb8;
	[tilespmem:$0x10400] =	vst v63  }
0x1f0: {  	s20 =	simm.s32 $0xC00;
	v3 =	vperm.xlane v3, v2  }
0x1f1: {  	[tilespmem:s20], [sflag:$0x1] =	stream.indirect_vreg.gather [hbm4b:s5+s3], $0x80, v4, vm0, $0xb8;
	[tilespmem:$0x10400] =	vst v63  }
0x1f2: {  	v3 =	vadd.s32 v1, v3;
	s20 =	simm.s32 $0x1400  }
0x1f3: {  	[tilespmem:s20], [sflag:$0x1] =	stream.indirect_vreg.gather [hbm4b:s6+s3], $0x80, v4, vm0, $0xb8;
	[tilespmem:$0x10400] =	vst v63  }
0x1f4: {  	s20 =	simm.s32 $0x1C00  }
0x1f5: {  	[tilespmem:s20], [sflag:$0x1] =	stream.indirect_vreg.gather [hbm4b:s7+s3], $0x80, v4, vm0, $0xb8;
	[tilespmem:$0x10400] =	vst v63  }
0x1f6: {  	s20 =	simm.s32 $0x2400  }
0x1f7: {  	[tilespmem:s20], [sflag:$0x1] =	stream.indirect_vreg.gather [hbm4b:s1+s3], $0x80, v3, vm0, $0xb8;
	[tilespmem:$0x10400] =	vst v63  }
0x1f8: {  	s20 =	simm.s32 $0x2C00  }
0x1f9: {  	[tilespmem:s20], [sflag:$0x1] =	stream.indirect_vreg.gather [hbm4b:s5+s3], $0x80, v3, vm0, $0xb8;
	[tilespmem:$0x10400] =	vst v63  }
0x1fa: {  	s20 =	simm.s32 $0x3400  }
0x1fb: {  	[tilespmem:s20], [sflag:$0x1] =	stream.indirect_vreg.gather [hbm4b:s6+s3], $0x80, v3, vm0, $0xb8;
	[tilespmem:$0x10400] =	vst v63  }
0x1fc: {  	s20 =	simm.s32 $0x3C00  }
0x1fd: {  	[tilespmem:s20], [sflag:$0x1] =	stream.indirect_vreg.gather [hbm4b:s7+s3], $0x80, v3, vm0, $0xb8;
	[tilespmem:$0x10400] =	vst v63  }
0x1fe: {  	v3 =	vld [tilespmem:$0x290];
	_ =	sdelay $0x4  }
0x1ff: {  	v53 =	vshll.u32 v3, $0x3  }
0x200: {  	v3 =	vand.u32 $0x7, v3;
	v4 =	vand.u32 $0xFFFFFFC0, v53  }
0x201: {  	v3 =	vor.u32 v3, v4  }
0x202: {  	v4 =	vperm.xlane v3, v0;
	_ =	sdelay $0x1  }
0x203: {  	v4 =	vadd.s32 v1, v4;
	_ =	sdelay $0x3  }
0x204: {  	s20 =	simm.s32 $0x4400  }
0x205: {  	[tilespmem:s20], [sflag:$0x1] =	stream.indirect_vreg.gather [hbm4b:s1+s3], $0x80, v4, vm0, $0xb8;
	[tilespmem:$0x10400] =	vst v63  }
0x206: {  	v3 =	vperm.xlane v3, v2;
	s20 =	simm.s32 $0x4C00  }
0x207: {  	[tilespmem:s20], [sflag:$0x1] =	stream.indirect_vreg.gather [hbm4b:s5+s3], $0x80, v4, vm0, $0xb8;
	[tilespmem:$0x10400] =	vst v63  }
0x208: {  	s30 =	simm.s32 $0x5400;
	v3 =	vadd.s32 v1, v3  }
0x209: {  	[tilespmem:s30], [sflag:$0x1] =	stream.indirect_vreg.gather [hbm4b:s6+s3], $0x80, v4, vm0, $0xb8;
	[tilespmem:$0x10400] =	vst v63  }
0x20a: {  	s2 =	simm.s32 $0x5C00  }
0x20b: {  	[tilespmem:s2], [sflag:$0x1] =	stream.indirect_vreg.gather [hbm4b:s7+s3], $0x80, v4, vm0, $0xb8;
	[tilespmem:$0x10400] =	vst v63  }
0x20c: {  	s31 =	simm.s32 $0x6400  }
0x20d: {  	[tilespmem:s31], [sflag:$0x1] =	stream.indirect_vreg.gather [hbm4b:s1+s3], $0x80, v3, vm0, $0xb8;
	[tilespmem:$0x10400] =	vst v63  }
0x20e: {  	s21 =	simm.s32 $0x6C00  }
0x20f: {  	[tilespmem:s21], [sflag:$0x1] =	stream.indirect_vreg.gather [hbm4b:s5+s3], $0x80, v3, vm0, $0xb8;
	[tilespmem:$0x10400] =	vst v63  }
0x210: {  	s0 =	simm.s32 $0x7400  }
0x211: {  	[tilespmem:s0], [sflag:$0x1] =	stream.indirect_vreg.gather [hbm4b:s6+s3], $0x80, v3, vm0, $0xb8;
	[tilespmem:$0x10400] =	vst v63  }
0x212: {  	s30 =	simm.s32 $0x7C00  }
0x213: {  	[tilespmem:s30], [sflag:$0x1] =	stream.indirect_vreg.gather [hbm4b:s7+s3], $0x80, v3, vm0, $0xb8;
	[tilespmem:$0x10400] =	vst v63  }
0x214: {  	v3 =	vld [tilespmem:$0x2A0];
	_ =	sdelay $0x4  }
0x215: {  	v54 =	vshll.u32 v3, $0x3  }
0x216: {  	v3 =	vand.u32 $0x7, v3;
	v4 =	vand.u32 $0xFFFFFFC0, v54  }
0x217: {  	v3 =	vor.u32 v3, v4  }
0x218: {  	v4 =	vperm.xlane v3, v0;
	_ =	sdelay $0x1  }
0x219: {  	v4 =	vadd.s32 v1, v4;
	_ =	sdelay $0x3  }
0x21a: {  	s26 =	simm.s32 $0x8400  }
0x21b: {  	[tilespmem:s26], [sflag:$0x1] =	stream.indirect_vreg.gather [hbm4b:s1+s3], $0x80, v4, vm0, $0xb8;
	[tilespmem:$0x10400] =	vst v63  }
0x21c: {  	s25 =	simm.s32 $0x8C00;
	v3 =	vperm.xlane v3, v2  }
0x21d: {  	[tilespmem:s25], [sflag:$0x1] =	stream.indirect_vreg.gather [hbm4b:s5+s3], $0x80, v4, vm0, $0xb8;
	[tilespmem:$0x10400] =	vst v63  }
0x21e: {  	s4 =	simm.s32 $0x9400;
	v3 =	vadd.s32 v1, v3  }
0x21f: {  	[tilespmem:s4], [sflag:$0x1] =	stream.indirect_vreg.gather [hbm4b:s6+s3], $0x80, v4, vm0, $0xb8;
	[tilespmem:$0x10400] =	vst v63  }
0x220: {  	s8 =	simm.s32 $0x9C00  }
0x221: {  	[tilespmem:s8], [sflag:$0x1] =	stream.indirect_vreg.gather [hbm4b:s7+s3], $0x80, v4, vm0, $0xb8;
	[tilespmem:$0x10400] =	vst v63  }
0x222: {  	s24 =	simm.s32 $0xA400  }
0x223: {  	[tilespmem:s24], [sflag:$0x1] =	stream.indirect_vreg.gather [hbm4b:s1+s3], $0x80, v3, vm0, $0xb8;
	[tilespmem:$0x10400] =	vst v63  }
0x224: {  	s22 =	simm.s32 $0xAC00  }
0x225: {  	[tilespmem:s22], [sflag:$0x1] =	stream.indirect_vreg.gather [hbm4b:s5+s3], $0x80, v3, vm0, $0xb8;
	[tilespmem:$0x10400] =	vst v63  }
0x226: {  	s17 =	simm.s32 $0xB400  }
0x227: {  	[tilespmem:s17], [sflag:$0x1] =	stream.indirect_vreg.gather [hbm4b:s6+s3], $0x80, v3, vm0, $0xb8;
	[tilespmem:$0x10400] =	vst v63  }
0x228: {  	s31 =	simm.s32 $0xBC00  }
0x229: {  	[tilespmem:s31], [sflag:$0x1] =	stream.indirect_vreg.gather [hbm4b:s7+s3], $0x80, v3, vm0, $0xb8;
	[tilespmem:$0x10400] =	vst v63  }
0x22a: {  	v3 =	vld [tilespmem:$0x2B0];
	_ =	sdelay $0x4  }
0x22b: {  	v55 =	vshll.u32 v3, $0x3  }
0x22c: {  	v3 =	vand.u32 $0x7, v3;
	v4 =	vand.u32 $0xFFFFFFC0, v55  }
0x22d: {  	v3 =	vor.u32 v3, v4  }
0x22e: {  	v4 =	vperm.xlane v3, v0;
	_ =	sdelay $0x1  }
0x22f: {  	v4 =	vadd.s32 v1, v4;
	_ =	sdelay $0x3  }
0x230: {  	s28 =	simm.s32 $0xC400  }
0x231: {  	[tilespmem:s28], [sflag:$0x1] =	stream.indirect_vreg.gather [hbm4b:s1+s3], $0x80, v4, vm0, $0xb8;
	[tilespmem:$0x10400] =	vst v63  }
0x232: {  	s29 =	simm.s32 $0xCC00;
	v3 =	vperm.xlane v3, v2  }
0x233: {  	[tilespmem:s29], [sflag:$0x1] =	stream.indirect_vreg.gather [hbm4b:s5+s3], $0x80, v4, vm0, $0xb8;
	[tilespmem:$0x10400] =	vst v63  }
0x234: {  	s18 =	simm.s32 $0xD400;
	v3 =	vadd.s32 v1, v3  }
0x235: {  	[tilespmem:s18], [sflag:$0x1] =	stream.indirect_vreg.gather [hbm4b:s6+s3], $0x80, v4, vm0, $0xb8;
	[tilespmem:$0x10400] =	vst v63  }
0x236: {  	s23 =	simm.s32 $0xDC00  }
0x237: {  	[tilespmem:s23], [sflag:$0x1] =	stream.indirect_vreg.gather [hbm4b:s7+s3], $0x80, v4, vm0, $0xb8;
	[tilespmem:$0x10400] =	vst v63  }
0x238: {  	s11 =	simm.s32 $0xE400  }
0x239: {  	[tilespmem:s11], [sflag:$0x1] =	stream.indirect_vreg.gather [hbm4b:s1+s3], $0x80, v3, vm0, $0xb8;
	[tilespmem:$0x10400] =	vst v63  }
0x23a: {  	s12 =	simm.s32 $0xEC00  }
0x23b: {  	[tilespmem:s12], [sflag:$0x1] =	stream.indirect_vreg.gather [hbm4b:s5+s3], $0x80, v3, vm0, $0xb8;
	[tilespmem:$0x10400] =	vst v63  }
0x23c: {  	s13 =	simm.s32 $0xF400  }
0x23d: {  	[tilespmem:s13], [sflag:$0x1] =	stream.indirect_vreg.gather [hbm4b:s6+s3], $0x80, v3, vm0, $0xb8;
	[tilespmem:$0x10400] =	vst v63  }
0x23e: {  	s14 =	simm.s32 $0xFC00  }
0x23f: {  	[tilespmem:s14], [sflag:$0x1] =	stream.indirect_vreg.gather [hbm4b:s7+s3], $0x80, v3, vm0, $0xb8;
	[tilespmem:$0x10400] =	vst v63  }
0x240: {  	_ =	swait.ge [sflag:s19], $0x10000  }
0x241: {  	[sflag:s19] =	ssyncset.done $0x0  }
0x242: {  	s17 =	rddreg [dreg:$0x9];
	[sflag:s19] =	ssyncadd.s32 $0xFFFF0000  }
0x243: {  	[hbm4b:s17+s3] =	stream.linear.scatter [tilespmem:s10], [sflag:$0x2], $0x10000, $0x38;
	[tilespmem:$0x10400] =	vst v63  }
0x244: {  	_ =	swait.ge [sflag:s9], $0x10000  }
0x245: {  	[sflag:s9] =	ssyncset.done $0x0  }
0x246: {  	[sflag:s9] =	ssyncadd.s32 $0xFFFF0000  }
0x247: {  	v3 =	vld [tilespmem:$0x300];
	_ =	sdelay $0x4  }
0x248: {  	v56 =	vshll.u32 v3, $0x3  }
0x249: {  	v3 =	vand.u32 $0x7, v3;
	v4 =	vand.u32 $0xFFFFFFC0, v56  }
0x24a: {  	v3 =	vor.u32 v3, v4  }
0x24b: {  	v4 =	vperm.xlane v3, v0;
	_ =	sdelay $0x1  }
0x24c: {  	v4 =	vadd.s32 v1, v4;
	_ =	sdelay $0x4  }
0x24d: {  	[tilespmem:s10], [sflag:$0x1] =	stream.indirect_vreg.gather [hbm4b:s1+s3], $0x80, v4, vm0, $0xb8;
	[tilespmem:$0x10400] =	vst v63  }
0x24e: {  	s22 =	simm.s32 $0xC00;
	v3 =	vperm.xlane v3, v2  }
0x24f: {  	[tilespmem:s22], [sflag:$0x1] =	stream.indirect_vreg.gather [hbm4b:s5+s3], $0x80, v4, vm0, $0xb8;
	[tilespmem:$0x10400] =	vst v63  }
0x250: {  	s23 =	simm.s32 $0x1400;
	v3 =	vadd.s32 v1, v3  }
0x251: {  	[tilespmem:s23], [sflag:$0x1] =	stream.indirect_vreg.gather [hbm4b:s6+s3], $0x80, v4, vm0, $0xb8;
	[tilespmem:$0x10400] =	vst v63  }
0x252: {  	s29 =	simm.s32 $0x1C00  }
0x253: {  	[tilespmem:s29], [sflag:$0x1] =	stream.indirect_vreg.gather [hbm4b:s7+s3], $0x80, v4, vm0, $0xb8;
	[tilespmem:$0x10400] =	vst v63  }
0x254: {  	s31 =	simm.s32 $0x2400  }
0x255: {  	[tilespmem:s31], [sflag:$0x1] =	stream.indirect_vreg.gather [hbm4b:s1+s3], $0x80, v3, vm0, $0xb8;
	[tilespmem:$0x10400] =	vst v63  }
0x256: {  	s14 =	simm.s32 $0x2C00  }
0x257: {  	[tilespmem:s14], [sflag:$0x1] =	stream.indirect_vreg.gather [hbm4b:s5+s3], $0x80, v3, vm0, $0xb8;
	[tilespmem:$0x10400] =	vst v63  }
0x258: {  	s20 =	simm.s32 $0x3400  }
0x259: {  	[tilespmem:s20], [sflag:$0x1] =	stream.indirect_vreg.gather [hbm4b:s6+s3], $0x80, v3, vm0, $0xb8;
	[tilespmem:$0x10400] =	vst v63  }
0x25a: {  	s22 =	simm.s32 $0x3C00  }
0x25b: {  	[tilespmem:s22], [sflag:$0x1] =	stream.indirect_vreg.gather [hbm4b:s7+s3], $0x80, v3, vm0, $0xb8;
	[tilespmem:$0x10400] =	vst v63  }
0x25c: {  	v3 =	vld [tilespmem:$0x310];
	_ =	sdelay $0x4  }
0x25d: {  	v57 =	vshll.u32 v3, $0x3  }
0x25e: {  	v3 =	vand.u32 $0x7, v3;
	v4 =	vand.u32 $0xFFFFFFC0, v57  }
0x25f: {  	v3 =	vor.u32 v3, v4  }
0x260: {  	v4 =	vperm.xlane v3, v0;
	_ =	sdelay $0x1  }
0x261: {  	v4 =	vadd.s32 v1, v4;
	_ =	sdelay $0x3  }
0x262: {  	s23 =	simm.s32 $0x4400  }
0x263: {  	[tilespmem:s23], [sflag:$0x1] =	stream.indirect_vreg.gather [hbm4b:s1+s3], $0x80, v4, vm0, $0xb8;
	[tilespmem:$0x10400] =	vst v63  }
0x264: {  	s29 =	simm.s32 $0x4C00;
	v3 =	vperm.xlane v3, v2  }
0x265: {  	[tilespmem:s29], [sflag:$0x1] =	stream.indirect_vreg.gather [hbm4b:s5+s3], $0x80, v4, vm0, $0xb8;
	[tilespmem:$0x10400] =	vst v63  }
0x266: {  	s31 =	simm.s32 $0x5400;
	v3 =	vadd.s32 v1, v3  }
0x267: {  	[tilespmem:s31], [sflag:$0x1] =	stream.indirect_vreg.gather [hbm4b:s6+s3], $0x80, v4, vm0, $0xb8;
	[tilespmem:$0x10400] =	vst v63  }
0x268: {  	s2 =	simm.s32 $0x5C00  }
0x269: {  	[tilespmem:s2], [sflag:$0x1] =	stream.indirect_vreg.gather [hbm4b:s7+s3], $0x80, v4, vm0, $0xb8;
	[tilespmem:$0x10400] =	vst v63  }
0x26a: {  	s20 =	simm.s32 $0x6400  }
0x26b: {  	[tilespmem:s20], [sflag:$0x1] =	stream.indirect_vreg.gather [hbm4b:s1+s3], $0x80, v3, vm0, $0xb8;
	[tilespmem:$0x10400] =	vst v63  }
0x26c: {  	s22 =	simm.s32 $0x6C00  }
0x26d: {  	[tilespmem:s22], [sflag:$0x1] =	stream.indirect_vreg.gather [hbm4b:s5+s3], $0x80, v3, vm0, $0xb8;
	[tilespmem:$0x10400] =	vst v63  }
0x26e: {  	s0 =	simm.s32 $0x7400  }
0x26f: {  	[tilespmem:s0], [sflag:$0x1] =	stream.indirect_vreg.gather [hbm4b:s6+s3], $0x80, v3, vm0, $0xb8;
	[tilespmem:$0x10400] =	vst v63  }
0x270: {  	s23 =	simm.s32 $0x7C00  }
0x271: {  	[tilespmem:s23], [sflag:$0x1] =	stream.indirect_vreg.gather [hbm4b:s7+s3], $0x80, v3, vm0, $0xb8;
	[tilespmem:$0x10400] =	vst v63  }
0x272: {  	v3 =	vld [tilespmem:$0x320];
	_ =	sdelay $0x4  }
0x273: {  	v58 =	vshll.u32 v3, $0x3  }
0x274: {  	v3 =	vand.u32 $0x7, v3;
	v4 =	vand.u32 $0xFFFFFFC0, v58  }
0x275: {  	v3 =	vor.u32 v3, v4  }
0x276: {  	v4 =	vperm.xlane v3, v0;
	_ =	sdelay $0x1  }
0x277: {  	v4 =	vadd.s32 v1, v4;
	_ =	sdelay $0x3  }
0x278: {  	s16 =	simm.s32 $0x8400  }
0x279: {  	[tilespmem:s16], [sflag:$0x1] =	stream.indirect_vreg.gather [hbm4b:s1+s3], $0x80, v4, vm0, $0xb8;
	[tilespmem:$0x10400] =	vst v63  }
0x27a: {  	s30 =	simm.s32 $0x8C00;
	v3 =	vperm.xlane v3, v2  }
0x27b: {  	[tilespmem:s30], [sflag:$0x1] =	stream.indirect_vreg.gather [hbm4b:s5+s3], $0x80, v4, vm0, $0xb8;
	[tilespmem:$0x10400] =	vst v63  }
0x27c: {  	s4 =	simm.s32 $0x9400;
	v3 =	vadd.s32 v1, v3  }
0x27d: {  	[tilespmem:s4], [sflag:$0x1] =	stream.indirect_vreg.gather [hbm4b:s6+s3], $0x80, v4, vm0, $0xb8;
	[tilespmem:$0x10400] =	vst v63  }
0x27e: {  	s8 =	simm.s32 $0x9C00  }
0x27f: {  	[tilespmem:s8], [sflag:$0x1] =	stream.indirect_vreg.gather [hbm4b:s7+s3], $0x80, v4, vm0, $0xb8;
	[tilespmem:$0x10400] =	vst v63  }
0x280: {  	s24 =	simm.s32 $0xA400  }
0x281: {  	[tilespmem:s24], [sflag:$0x1] =	stream.indirect_vreg.gather [hbm4b:s1+s3], $0x80, v3, vm0, $0xb8;
	[tilespmem:$0x10400] =	vst v63  }
0x282: {  	s26 =	simm.s32 $0xAC00  }
0x283: {  	[tilespmem:s26], [sflag:$0x1] =	stream.indirect_vreg.gather [hbm4b:s5+s3], $0x80, v3, vm0, $0xb8;
	[tilespmem:$0x10400] =	vst v63  }
0x284: {  	s25 =	simm.s32 $0xB400  }
0x285: {  	[tilespmem:s25], [sflag:$0x1] =	stream.indirect_vreg.gather [hbm4b:s6+s3], $0x80, v3, vm0, $0xb8;
	[tilespmem:$0x10400] =	vst v63  }
0x286: {  	s25 =	simm.s32 $0xBC00  }
0x287: {  	[tilespmem:s25], [sflag:$0x1] =	stream.indirect_vreg.gather [hbm4b:s7+s3], $0x80, v3, vm0, $0xb8;
	[tilespmem:$0x10400] =	vst v63  }
0x288: {  	v3 =	vld [tilespmem:$0x330];
	_ =	sdelay $0x4  }
0x289: {  	v59 =	vshll.u32 v3, $0x3  }
0x28a: {  	v3 =	vand.u32 $0x7, v3;
	v4 =	vand.u32 $0xFFFFFFC0, v59  }
0x28b: {  	v3 =	vor.u32 v3, v4  }
0x28c: {  	v4 =	vperm.xlane v3, v0;
	_ =	sdelay $0x1  }
0x28d: {  	v4 =	vadd.s32 v1, v4;
	_ =	sdelay $0x3  }
0x28e: {  	s26 =	simm.s32 $0xC400  }
0x28f: {  	[tilespmem:s26], [sflag:$0x1] =	stream.indirect_vreg.gather [hbm4b:s1+s3], $0x80, v4, vm0, $0xb8;
	[tilespmem:$0x10400] =	vst v63  }
0x290: {  	s16 =	simm.s32 $0xCC00;
	v3 =	vperm.xlane v3, v2  }
0x291: {  	[tilespmem:s16], [sflag:$0x1] =	stream.indirect_vreg.gather [hbm4b:s5+s3], $0x80, v4, vm0, $0xb8;
	[tilespmem:$0x10400] =	vst v63  }
0x292: {  	s18 =	simm.s32 $0xD400;
	v3 =	vadd.s32 v1, v3  }
0x293: {  	[tilespmem:s18], [sflag:$0x1] =	stream.indirect_vreg.gather [hbm4b:s6+s3], $0x80, v4, vm0, $0xb8;
	[tilespmem:$0x10400] =	vst v63  }
0x294: {  	s21 =	simm.s32 $0xDC00  }
0x295: {  	[tilespmem:s21], [sflag:$0x1] =	stream.indirect_vreg.gather [hbm4b:s7+s3], $0x80, v4, vm0, $0xb8;
	[tilespmem:$0x10400] =	vst v63  }
0x296: {  	s28 =	simm.s32 $0xE400  }
0x297: {  	[tilespmem:s28], [sflag:$0x1] =	stream.indirect_vreg.gather [hbm4b:s1+s3], $0x80, v3, vm0, $0xb8;
	[tilespmem:$0x10400] =	vst v63  }
0x298: {  	s12 =	simm.s32 $0xEC00  }
0x299: {  	[tilespmem:s12], [sflag:$0x1] =	stream.indirect_vreg.gather [hbm4b:s5+s3], $0x80, v3, vm0, $0xb8;
	[tilespmem:$0x10400] =	vst v63  }
0x29a: {  	s13 =	simm.s32 $0xF400  }
0x29b: {  	[tilespmem:s13], [sflag:$0x1] =	stream.indirect_vreg.gather [hbm4b:s6+s3], $0x80, v3, vm0, $0xb8;
	[tilespmem:$0x10400] =	vst v63  }
0x29c: {  	s20 =	simm.s32 $0xFC00  }
0x29d: {  	[tilespmem:s20], [sflag:$0x1] =	stream.indirect_vreg.gather [hbm4b:s7+s3], $0x80, v3, vm0, $0xb8;
	[tilespmem:$0x10400] =	vst v63  }
0x29e: {  	_ =	swait.ge [sflag:s19], $0x10000  }
0x29f: {  	[sflag:s19] =	ssyncset.done $0x0  }
0x2a0: {  	s28 =	rddreg [dreg:$0xa];
	[sflag:s19] =	ssyncadd.s32 $0xFFFF0000  }
0x2a1: {  	[hbm4b:s28+s3] =	stream.linear.scatter [tilespmem:s10], [sflag:$0x2], $0x10000, $0x38;
	[tilespmem:$0x10400] =	vst v63  }
0x2a2: {  	_ =	swait.ge [sflag:s9], $0x10000  }
0x2a3: {  	[sflag:s9] =	ssyncset.done $0x0  }
0x2a4: {  	[sflag:s9] =	ssyncadd.s32 $0xFFFF0000  }
0x2a5: {  	v3 =	vld [tilespmem:$0x380];
	_ =	sdelay $0x4  }
0x2a6: {  	v60 =	vshll.u32 v3, $0x3  }
0x2a7: {  	v3 =	vand.u32 $0x7, v3;
	v4 =	vand.u32 $0xFFFFFFC0, v60  }
0x2a8: {  	v3 =	vor.u32 v3, v4  }
0x2a9: {  	v4 =	vperm.xlane v3, v0;
	_ =	sdelay $0x1  }
0x2aa: {  	v4 =	vadd.s32 v1, v4;
	_ =	sdelay $0x4  }
0x2ab: {  	[tilespmem:s10], [sflag:$0x1] =	stream.indirect_vreg.gather [hbm4b:s1+s3], $0x80, v4, vm0, $0xb8;
	[tilespmem:$0x10400] =	vst v63  }
0x2ac: {  	s28 =	simm.s32 $0xC00;
	v3 =	vperm.xlane v3, v2  }
0x2ad: {  	[tilespmem:s28], [sflag:$0x1] =	stream.indirect_vreg.gather [hbm4b:s5+s3], $0x80, v4, vm0, $0xb8;
	[tilespmem:$0x10400] =	vst v63  }
0x2ae: {  	s17 =	simm.s32 $0x1400;
	v3 =	vadd.s32 v1, v3  }
0x2af: {  	[tilespmem:s17], [sflag:$0x1] =	stream.indirect_vreg.gather [hbm4b:s6+s3], $0x80, v4, vm0, $0xb8;
	[tilespmem:$0x10400] =	vst v63  }
0x2b0: {  	s20 =	simm.s32 $0x1C00  }
0x2b1: {  	[tilespmem:s20], [sflag:$0x1] =	stream.indirect_vreg.gather [hbm4b:s7+s3], $0x80, v4, vm0, $0xb8;
	[tilespmem:$0x10400] =	vst v63  }
0x2b2: {  	s28 =	simm.s32 $0x2400  }
0x2b3: {  	[tilespmem:s28], [sflag:$0x1] =	stream.indirect_vreg.gather [hbm4b:s1+s3], $0x80, v3, vm0, $0xb8;
	[tilespmem:$0x10400] =	vst v63  }
0x2b4: {  	s20 =	simm.s32 $0x2C00  }
0x2b5: {  	[tilespmem:s20], [sflag:$0x1] =	stream.indirect_vreg.gather [hbm4b:s5+s3], $0x80, v3, vm0, $0xb8;
	[tilespmem:$0x10400] =	vst v63  }
0x2b6: {  	s28 =	simm.s32 $0x3400  }
0x2b7: {  	[tilespmem:s28], [sflag:$0x1] =	stream.indirect_vreg.gather [hbm4b:s6+s3], $0x80, v3, vm0, $0xb8;
	[tilespmem:$0x10400] =	vst v63  }
0x2b8: {  	s20 =	simm.s32 $0x3C00  }
0x2b9: {  	[tilespmem:s20], [sflag:$0x1] =	stream.indirect_vreg.gather [hbm4b:s7+s3], $0x80, v3, vm0, $0xb8;
	[tilespmem:$0x10400] =	vst v63  }
0x2ba: {  	v3 =	vld [tilespmem:$0x390];
	_ =	sdelay $0x4  }
0x2bb: {  	v61 =	vshll.u32 v3, $0x3  }
0x2bc: {  	v3 =	vand.u32 $0x7, v3;
	v4 =	vand.u32 $0xFFFFFFC0, v61  }
0x2bd: {  	v3 =	vor.u32 v3, v4  }
0x2be: {  	v4 =	vperm.xlane v3, v0;
	_ =	sdelay $0x1  }
0x2bf: {  	v4 =	vadd.s32 v1, v4;
	_ =	sdelay $0x3  }
0x2c0: {  	s11 =	simm.s32 $0x4400  }
0x2c1: {  	[tilespmem:s11], [sflag:$0x1] =	stream.indirect_vreg.gather [hbm4b:s1+s3], $0x80, v4, vm0, $0xb8;
	[tilespmem:$0x10400] =	vst v63  }
0x2c2: {  	s28 =	simm.s32 $0x4C00;
	v3 =	vperm.xlane v3, v2  }
0x2c3: {  	[tilespmem:s28], [sflag:$0x1] =	stream.indirect_vreg.gather [hbm4b:s5+s3], $0x80, v4, vm0, $0xb8;
	[tilespmem:$0x10400] =	vst v63  }
0x2c4: {  	s31 =	simm.s32 $0x5400;
	v3 =	vadd.s32 v1, v3  }
0x2c5: {  	[tilespmem:s31], [sflag:$0x1] =	stream.indirect_vreg.gather [hbm4b:s6+s3], $0x80, v4, vm0, $0xb8;
	[tilespmem:$0x10400] =	vst v63  }
0x2c6: {  	s14 =	simm.s32 $0x5C00  }
0x2c7: {  	[tilespmem:s14], [sflag:$0x1] =	stream.indirect_vreg.gather [hbm4b:s7+s3], $0x80, v4, vm0, $0xb8;
	[tilespmem:$0x10400] =	vst v63  }
0x2c8: {  	s17 =	simm.s32 $0x6400  }
0x2c9: {  	[tilespmem:s17], [sflag:$0x1] =	stream.indirect_vreg.gather [hbm4b:s1+s3], $0x80, v3, vm0, $0xb8;
	[tilespmem:$0x10400] =	vst v63  }
0x2ca: {  	s20 =	simm.s32 $0x6C00  }
0x2cb: {  	[tilespmem:s20], [sflag:$0x1] =	stream.indirect_vreg.gather [hbm4b:s5+s3], $0x80, v3, vm0, $0xb8;
	[tilespmem:$0x10400] =	vst v63  }
0x2cc: {  	s2 =	simm.s32 $0x7400  }
0x2cd: {  	[tilespmem:s2], [sflag:$0x1] =	stream.indirect_vreg.gather [hbm4b:s6+s3], $0x80, v3, vm0, $0xb8;
	[tilespmem:$0x10400] =	vst v63  }
0x2ce: {  	s28 =	simm.s32 $0x7C00  }
0x2cf: {  	[tilespmem:s28], [sflag:$0x1] =	stream.indirect_vreg.gather [hbm4b:s7+s3], $0x80, v3, vm0, $0xb8;
	[tilespmem:$0x10400] =	vst v63  }
0x2d0: {  	v3 =	vld [tilespmem:$0x3A0];
	_ =	sdelay $0x4  }
0x2d1: {  	v62 =	vshll.u32 v3, $0x3  }
0x2d2: {  	v3 =	vand.u32 $0x7, v3;
	v4 =	vand.u32 $0xFFFFFFC0, v62  }
0x2d3: {  	v3 =	vor.u32 v3, v4  }
0x2d4: {  	v4 =	vperm.xlane v3, v0;
	_ =	sdelay $0x1  }
0x2d5: {  	v4 =	vadd.s32 v1, v4;
	_ =	sdelay $0x3  }
0x2d6: {  	s29 =	simm.s32 $0x8400  }
0x2d7: {  	[tilespmem:s29], [sflag:$0x1] =	stream.indirect_vreg.gather [hbm4b:s1+s3], $0x80, v4, vm0, $0xb8;
	[tilespmem:$0x10400] =	vst v63  }
0x2d8: {  	s30 =	simm.s32 $0x8C00;
	v3 =	vperm.xlane v3, v2  }
0x2d9: {  	[tilespmem:s30], [sflag:$0x1] =	stream.indirect_vreg.gather [hbm4b:s5+s3], $0x80, v4, vm0, $0xb8;
	[tilespmem:$0x10400] =	vst v63  }
0x2da: {  	s0 =	simm.s32 $0x9400;
	v3 =	vadd.s32 v1, v3  }
0x2db: {  	[tilespmem:s0], [sflag:$0x1] =	stream.indirect_vreg.gather [hbm4b:s6+s3], $0x80, v4, vm0, $0xb8;
	[tilespmem:$0x10400] =	vst v63  }
0x2dc: {  	s4 =	simm.s32 $0x9C00  }
0x2dd: {  	[tilespmem:s4], [sflag:$0x1] =	stream.indirect_vreg.gather [hbm4b:s7+s3], $0x80, v4, vm0, $0xb8;
	[tilespmem:$0x10400] =	vst v63  }
0x2de: {  	s22 =	simm.s32 $0xA400  }
0x2df: {  	[tilespmem:s22], [sflag:$0x1] =	stream.indirect_vreg.gather [hbm4b:s1+s3], $0x80, v3, vm0, $0xb8;
	[tilespmem:$0x10400] =	vst v63  }
0x2e0: {  	s23 =	simm.s32 $0xAC00  }
0x2e1: {  	[tilespmem:s23], [sflag:$0x1] =	stream.indirect_vreg.gather [hbm4b:s5+s3], $0x80, v3, vm0, $0xb8;
	[tilespmem:$0x10400] =	vst v63  }
0x2e2: {  	s24 =	simm.s32 $0xB400  }
0x2e3: {  	[tilespmem:s24], [sflag:$0x1] =	stream.indirect_vreg.gather [hbm4b:s6+s3], $0x80, v3, vm0, $0xb8;
	[tilespmem:$0x10400] =	vst v63  }
0x2e4: {  	s25 =	simm.s32 $0xBC00  }
0x2e5: {  	[tilespmem:s25], [sflag:$0x1] =	stream.indirect_vreg.gather [hbm4b:s7+s3], $0x80, v3, vm0, $0xb8;
	[tilespmem:$0x10400] =	vst v63  }
0x2e6: {  	v3 =	vld [tilespmem:$0x3B0];
	_ =	sdelay $0x4  }
0x2e7: {  	v63 =	vshll.u32 v3, $0x3  }
0x2e8: {  	v3 =	vand.u32 $0x7, v3;
	v4 =	vand.u32 $0xFFFFFFC0, v63  }
0x2e9: {  	v3 =	vor.u32 v3, v4  }
0x2ea: {  	v4 =	vperm.xlane v3, v0;
	_ =	sdelay $0x1  }
0x2eb: {  	v4 =	vadd.s32 v1, v4;
	_ =	sdelay $0x3  }
0x2ec: {  	s26 =	simm.s32 $0xC400  }
0x2ed: {  	[tilespmem:s26], [sflag:$0x1] =	stream.indirect_vreg.gather [hbm4b:s1+s3], $0x80, v4, vm0, $0xb8;
	[tilespmem:$0x10400] =	vst v63  }
0x2ee: {  	s30 =	simm.s32 $0xCC00;
	v3 =	vperm.xlane v3, v2  }
0x2ef: {  	[tilespmem:s30], [sflag:$0x1] =	stream.indirect_vreg.gather [hbm4b:s5+s3], $0x80, v4, vm0, $0xb8;
	[tilespmem:$0x10400] =	vst v63  }
0x2f0: {  	s16 =	simm.s32 $0xD400;
	v3 =	vadd.s32 v1, v3  }
0x2f1: {  	[tilespmem:s16], [sflag:$0x1] =	stream.indirect_vreg.gather [hbm4b:s6+s3], $0x80, v4, vm0, $0xb8;
	[tilespmem:$0x10400] =	vst v63  }
0x2f2: {  	s18 =	simm.s32 $0xDC00  }
0x2f3: {  	[tilespmem:s18], [sflag:$0x1] =	stream.indirect_vreg.gather [hbm4b:s7+s3], $0x80, v4, vm0, $0xb8;
	[tilespmem:$0x10400] =	vst v63  }
0x2f4: {  	s21 =	simm.s32 $0xE400  }
0x2f5: {  	[tilespmem:s21], [sflag:$0x1] =	stream.indirect_vreg.gather [hbm4b:s1+s3], $0x80, v3, vm0, $0xb8;
	[tilespmem:$0x10400] =	vst v63  }
0x2f6: {  	s8 =	simm.s32 $0xEC00  }
0x2f7: {  	[tilespmem:s8], [sflag:$0x1] =	stream.indirect_vreg.gather [hbm4b:s5+s3], $0x80, v3, vm0, $0xb8;
	[tilespmem:$0x10400] =	vst v63  }
0x2f8: {  	s12 =	simm.s32 $0xF400  }
0x2f9: {  	[tilespmem:s12], [sflag:$0x1] =	stream.indirect_vreg.gather [hbm4b:s6+s3], $0x80, v3, vm0, $0xb8;
	[tilespmem:$0x10400] =	vst v63  }
0x2fa: {  	s13 =	simm.s32 $0xFC00  }
0x2fb: {  	[tilespmem:s13], [sflag:$0x1] =	stream.indirect_vreg.gather [hbm4b:s7+s3], $0x80, v3, vm0, $0xb8;
	[tilespmem:$0x10400] =	vst v63  }
0x2fc: {  	_ =	swait.ge [sflag:s19], $0x10000  }
0x2fd: {  	p0 =	sne.s32 s15, $0x1;
	[sflag:s19] =	ssyncset.done $0x0  }
.Ltmp0:
0x2fe: {  	s31 =	rddreg [dreg:$0xb];
	[sflag:s19] =	ssyncadd.s32 $0xFFFF0000;
	(pc) =	sbr.rel @p0 .LBB2_1-.Ltmp0, $4  }
0x2ff: {  	[hbm4b:s31+s3] =	stream.linear.scatter [tilespmem:s10], [sflag:$0x2], $0x10000, $0x38;
	[tilespmem:$0x10400] =	vst v63  }
0x300: {  	_ =	swait.ge [sflag:s9], $0x10000  }
0x301: {  	[sflag:s9] =	ssyncset.done $0x0  }
0x302: {  	s15 =	sadd.s32 $0xFFFFFFFF, s15;
	[sflag:s9] =	ssyncadd.s32 $0xFFFF0000  }
0x303: {  	_ =	sfence.sel $0x180000  }
0x304: {  	[bflag:$0x0] =	sbarrier.arrive $0xFFFF  }
0x305: {  	_ =	strace $0x90000047  }
0x306: {  	s0 =	stileid.u32;
	[bflag:$0x2] =	sbarrier.arrive $0xFFFF  }
0x307: {  	p0 =	sne.s32 s0, $0x0;
	s0 =	rddreg [dreg:$0x3]  }
0x308: {  	s0 =	sadd.s32 @!p0 $0x100000, s0  }
0x309: {  	[sflag:s0] =	ssyncadd.tile.s32 @!p0 $0x1;
	_ =	shalt  }
.Lfunc_end2:
_tile_overlayer_lowered:
.L_overlay_start_2:
0x30a: {  	(tag) =	ssettag $0x2  }
0x30b: {  	s0 =	rddreg [dreg:$0x0];
	s2 =	stileid.u32  }
0x30c: {  	s1 =	rddreg [dreg:$0x1];
	p0 =	sne.s32 s2, $0x0  }
0x30d: {  	s3 =	rddreg [dreg:$0x2];
	[bflag:$0x3] =	sbarrier.arrive $0xFFFF;
	s2 =	simm.s32 @!p0 $0x1C02  }
0x30e: {  	[timem:s3], [sflag:s2] =	dma.local @!p0 [hbm:s0], s1  }
0x30f: {  	s0 =	simm.s32 @!p0 $0x2  }
0x310: {  	_ =	swait.ge @!p0 [sflag:s0], s1  }
0x311: {  	s1 =	ssub.s32 @!p0 $0x0, s1;
	[sflag:s0] =	ssyncset.done @!p0 $0x0  }
0x312: {  	[sflag:s0] =	ssyncadd.s32 @!p0 s1  }
0x313: {  	[bflag:$0x3] =	sbarrier.arrive $0xFFFF  }
0x314: {  	_ =	shalt  }

</sc_bundles>
